<compile_context>
chip_gen: v7x
topology: tpu7x:2x2x1
jax: 0.10.2.dev20260603
libtpu: 0.0.44.dev20260713+nightly
codegen_flags: <defaults>
</compile_context>

<pallas_src>
import math

import jax
import jax.numpy as jnp
from jax.experimental import pallas as pl

B, L, D = 2, 2048, 768
H, DK = 12, 64
HID = 2048
U = 32
NEG = float("-inf")
f32 = jnp.float32


def _dot(a, b):
    return jax.lax.dot_general(a, b, (((1,), (0,)), ((), ())),
                               preferred_element_type=f32)


def _dot_t(a, b):
    return jax.lax.dot_general(a, b, (((1,), (1,)), ((), ())),
                               preferred_element_type=f32)


def _dot_00(a, b):
    return jax.lax.dot_general(a, b, (((0,), (0,)), ((), ())),
                               preferred_element_type=f32)


def _elu(t):
    return jnp.where(t > 0, t, jnp.exp(t) - 1.0)


def _ln(t, g, b):
    mu = jnp.mean(t, axis=1, keepdims=True)
    var = jnp.mean((t - mu) ** 2, axis=1, keepdims=True)
    return (t - mu) * jax.lax.rsqrt(var + 1e-3) * g + b



def _qkv_body(x_ref, w_ref, b_ref, q_ref, k_ref, v_ref):
    r = _dot(x_ref[0], w_ref[...]) + b_ref[...]
    for h in range(H):
        q_ref[0, h] = r[:, h * DK:(h + 1) * DK]
        k_ref[0, h] = r[:, D + h * DK:D + (h + 1) * DK]
        v_ref[0, h] = r[:, 2 * D + h * DK:2 * D + (h + 1) * DK]



def _m_body(q_ref, k_ref, at_ref, m_ref):
    at = at_ref[...]
    msk = at > 0
    for b in range(B):
        for h in range(H):
            qh = q_ref[b, h]
            kh = k_ref[b, h]
            st = _dot_t(kh, qh)
            mx = jnp.max(jnp.where(msk, st, NEG), axis=0, keepdims=True)
            sm = jnp.sum(st * at, axis=0, keepdims=True) * (1.0 / U)
            m_ref[b * H + h:b * H + h + 1, :] = mx - sm



def _topk_body(m_ref, idx_ref):
    m = m_ref[...]
    lane_l = jax.lax.broadcasted_iota(jnp.int32, (1, L), 1)
    lane_u = jax.lax.broadcasted_iota(jnp.int32, (B * H, U), 1)

    def body(i, carry):
        m, idxs = carry
        mx = jnp.max(m, axis=1, keepdims=True)
        iv = jnp.min(jnp.where(m == mx, lane_l, L), axis=1, keepdims=True)
        idxs = jnp.where(lane_u == i, iv, idxs)
        m = jnp.where(lane_l == iv, NEG, m)
        return m, idxs

    _, idxs = jax.lax.fori_loop(
        0, U, body, (m, jnp.zeros((B * H, U), jnp.int32)))
    idx_ref[...] = idxs



def _attn_body(idx_ref, q_ref, k_ref, v_ref, wo_ref, bo_ref, o_ref):
    h = pl.program_id(1)
    q = q_ref[0, 0]
    k = k_ref[0, 0]
    v = v_ref[0, 0]
    col = jax.lax.broadcasted_iota(jnp.int32, (L, 1), 0)
    ot = (col == idx_ref[0]).astype(f32)
    qr = _dot_00(ot, q)
    s = _dot_t(qr, k) * (1.0 / math.sqrt(DK))
    s = s - jnp.max(s, axis=1, keepdims=True)
    e = jnp.exp(s)
    attn = e / jnp.sum(e, axis=1, keepdims=True)
    upd = _dot(attn, v)
    mv = jnp.mean(v, axis=0, keepdims=True)
    wo = wo_ref[0]
    contrib = _dot(ot, _dot(upd - mv, wo)) + _dot(mv, wo)

    @pl.when(h == 0)
    def _():
        o_ref[0] = contrib + bo_ref[...]

    @pl.when(h != 0)
    def _():
        o_ref[0] = o_ref[0] + contrib



def _ffn_body(x_ref, a_ref, w1_ref, b1_ref, w2_ref, b2_ref,
              g1_ref, bl1_ref, g2_ref, bl2_ref, o_ref):
    o1 = _ln(x_ref[0] + a_ref[0], g1_ref[...], bl1_ref[...])
    f = _elu(_dot(o1, w1_ref[...]) + b1_ref[...])
    f2 = _dot(f, w2_ref[...]) + b2_ref[...]
    o_ref[0] = _ln(o1 + f2, g2_ref[...], bl2_ref[...])



def _conv_body(y_ref, w0_ref, w1_ref, w2_ref, cb_ref, z_ref, s_ref, q_ref):
    t = y_ref[0]
    a = _dot(t, w0_ref[...])
    c = _dot(t, w2_ref[...])
    zero = jnp.zeros((1, D), f32)
    z = _dot(t, w1_ref[...]) + cb_ref[...]
    z = z + jnp.concatenate([zero, a[:-1, :]], axis=0)
    z = z + jnp.concatenate([c[1:, :], zero], axis=0)
    z_ref[0] = z
    s_ref[0] = jnp.sum(z, axis=0, keepdims=True)
    q_ref[0] = jnp.sum(z * z, axis=0, keepdims=True)



_FBLK = 128
_NFB = L // _FBLK

def _pool_body(zc_ref, zn_ref, s_ref, q_ref, g_ref, b_ref, o_ref):
    i = pl.program_id(1)
    n = float(B * L)
    mu = (s_ref[0] + s_ref[1]) * (1.0 / n)
    var = (q_ref[0] + q_ref[1]) * (1.0 / n) - mu * mu
    sc = g_ref[...] * jax.lax.rsqrt(var + 1e-3)
    zn = _elu((zc_ref[0] - mu) * sc + b_ref[...])
    nx = _elu((zn_ref[0, 0:1, :] - mu) * sc + b_ref[...])
    nx = jnp.where(i == _NFB - 1, NEG, nx)
    z3 = zn.reshape(_FBLK // 2, 2, D)
    ev = z3[:, 0, :]
    od = z3[:, 1, :]
    ev_n = jnp.concatenate([ev[1:, :], nx], axis=0)
    o_ref[0] = jnp.maximum(jnp.maximum(ev, od), ev_n)



def kernel(x, Wq, bq, Wk, bk, Wv, bv, Wo, bo, ln1_g, ln1_b, w1, b1, w2, b2,
           ln2_g, ln2_b, cw, cb, bn_g, bn_b):
    idx = jax.random.randint(jax.random.key(42), (L, U), 0, L)
    At = jnp.zeros((L, L), f32).at[idx, jnp.arange(L)[:, None]].add(1.0)

    Wqkv = jnp.concatenate(
        [Wq.reshape(D, H * DK), Wk.reshape(D, H * DK), Wv.reshape(D, H * DK)],
        axis=1)
    bqkv = jnp.concatenate(
        [bq.reshape(-1), bk.reshape(-1), bv.reshape(-1)])[None, :]

    hspec = pl.BlockSpec((1, H, 256, DK), lambda b, i: (b, 0, i, 0))
    hshape = jax.ShapeDtypeStruct((B, H, L, DK), f32)
    q, k, v = pl.pallas_call(
        _qkv_body,
        grid=(B, L // 256),
        in_specs=[
            pl.BlockSpec((1, 256, D), lambda b, i: (b, i, 0)),
            pl.BlockSpec((D, 3 * D), lambda b, i: (0, 0)),
            pl.BlockSpec((1, 3 * D), lambda b, i: (0, 0)),
        ],
        out_specs=[hspec, hspec, hspec],
        out_shape=[hshape, hshape, hshape],
    )(x, Wqkv, bqkv)

    M = pl.pallas_call(
        _m_body,
        grid=(L // 128,),
        in_specs=[
            pl.BlockSpec((B, H, 128, DK), lambda i: (0, 0, i, 0)),
            pl.BlockSpec((B, H, L, DK), lambda i: (0, 0, 0, 0)),
            pl.BlockSpec((L, 128), lambda i: (0, i)),
        ],
        out_specs=pl.BlockSpec((B * H, 128), lambda i: (0, i)),
        out_shape=jax.ShapeDtypeStruct((B * H, L), f32),
    )(q, k, At)

    top_idx = pl.pallas_call(
        _topk_body,
        in_specs=[pl.BlockSpec((B * H, L), lambda: (0, 0))],
        out_specs=pl.BlockSpec((B * H, U), lambda: (0, 0)),
        out_shape=jax.ShapeDtypeStruct((B * H, U), jnp.int32),
    )(M)

    attn_out = pl.pallas_call(
        _attn_body,
        grid=(B, H),
        in_specs=[
            pl.BlockSpec((1, 1, U), lambda b, h: (b * H + h, 0, 0)),
            pl.BlockSpec((1, 1, L, DK), lambda b, h: (b, h, 0, 0)),
            pl.BlockSpec((1, 1, L, DK), lambda b, h: (b, h, 0, 0)),
            pl.BlockSpec((1, 1, L, DK), lambda b, h: (b, h, 0, 0)),
            pl.BlockSpec((1, DK, D), lambda b, h: (h, 0, 0)),
            pl.BlockSpec((1, D), lambda b, h: (0, 0)),
        ],
        out_specs=pl.BlockSpec((1, L, D), lambda b, h: (b, 0, 0)),
        out_shape=jax.ShapeDtypeStruct((B, L, D), f32),
    )(top_idx.reshape(B * H, 1, U), q, k, v, Wo, bo[None, :])

    y2 = pl.pallas_call(
        _ffn_body,
        grid=(B, L // 256),
        in_specs=[
            pl.BlockSpec((1, 256, D), lambda b, i: (b, i, 0)),
            pl.BlockSpec((1, 256, D), lambda b, i: (b, i, 0)),
            pl.BlockSpec((D, HID), lambda b, i: (0, 0)),
            pl.BlockSpec((1, HID), lambda b, i: (0, 0)),
            pl.BlockSpec((HID, D), lambda b, i: (0, 0)),
            pl.BlockSpec((1, D), lambda b, i: (0, 0)),
            pl.BlockSpec((1, D), lambda b, i: (0, 0)),
            pl.BlockSpec((1, D), lambda b, i: (0, 0)),
            pl.BlockSpec((1, D), lambda b, i: (0, 0)),
            pl.BlockSpec((1, D), lambda b, i: (0, 0)),
        ],
        out_specs=pl.BlockSpec((1, 256, D), lambda b, i: (b, i, 0)),
        out_shape=jax.ShapeDtypeStruct((B, L, D), f32),
    )(x, attn_out, w1, b1[None, :], w2, b2[None, :],
      ln1_g[None, :], ln1_b[None, :], ln2_g[None, :], ln2_b[None, :])

    z, zsum, zsq = pl.pallas_call(
        _conv_body,
        grid=(B,),
        in_specs=[
            pl.BlockSpec((1, L, D), lambda b: (b, 0, 0)),
            pl.BlockSpec((D, D), lambda b: (0, 0)),
            pl.BlockSpec((D, D), lambda b: (0, 0)),
            pl.BlockSpec((D, D), lambda b: (0, 0)),
            pl.BlockSpec((1, D), lambda b: (0, 0)),
        ],
        out_specs=[
            pl.BlockSpec((1, L, D), lambda b: (b, 0, 0)),
            pl.BlockSpec((1, 1, D), lambda b: (b, 0, 0)),
            pl.BlockSpec((1, 1, D), lambda b: (b, 0, 0)),
        ],
        out_shape=[
            jax.ShapeDtypeStruct((B, L, D), f32),
            jax.ShapeDtypeStruct((B, 1, D), f32),
            jax.ShapeDtypeStruct((B, 1, D), f32),
        ],
    )(y2, cw[0], cw[1], cw[2], cb[None, :])

    out = pl.pallas_call(
        _pool_body,
        grid=(B, _NFB),
        in_specs=[
            pl.BlockSpec((1, _FBLK, D), lambda b, i: (b, i, 0)),
            pl.BlockSpec((1, _FBLK, D),
                         lambda b, i: (b, jnp.minimum(i + 1, _NFB - 1), 0)),
            pl.BlockSpec((B, 1, D), lambda b, i: (0, 0, 0)),
            pl.BlockSpec((B, 1, D), lambda b, i: (0, 0, 0)),
            pl.BlockSpec((1, D), lambda b, i: (0, 0)),
            pl.BlockSpec((1, D), lambda b, i: (0, 0)),
        ],
        out_specs=pl.BlockSpec((1, _FBLK // 2, D), lambda b, i: (b, i, 0)),
        out_shape=jax.ShapeDtypeStruct((B, L // 2, D), f32),
    )(z, z, zsum, zsq, bn_g[None, :], bn_b[None, :])

    return out

# --- scband reference (transcript-rebuilt; emitter-appended) ---
"""Pipeline reference for scband-encoder-layer-1606317768816 (READ-ONLY COPY).

The authoritative reference and input builder live on the scoring server;
editing this copy changes nothing except your own understanding.
"""

import jax, jax.numpy as jnp
import numpy as np
import math

B, L, D = 2, 2048, 768
H, DK, DV = 12, 64, 64
HID = 2048
FACTOR = 4


def setup_inputs(seed: int = 0) -> dict:
    key = jax.random.key(seed)
    ks = jax.random.split(key, 24)
    s = 0.02
    f32 = jnp.float32
    return {
        "x": jax.random.normal(ks[0], (B, L, D), f32),
        "Wq": jax.random.normal(ks[1], (D, H, DK), f32) * s,
        "bq": jnp.zeros((H, DK), f32),
        "Wk": jax.random.normal(ks[2], (D, H, DK), f32) * s,
        "bk": jnp.zeros((H, DK), f32),
        "Wv": jax.random.normal(ks[3], (D, H, DV), f32) * s,
        "bv": jnp.zeros((H, DV), f32),
        "Wo": jax.random.normal(ks[4], (H, DV, D), f32) * s,
        "bo": jnp.zeros((D,), f32),
        "ln1_g": jnp.ones((D,), f32),
        "ln1_b": jnp.zeros((D,), f32),
        "w1": jax.random.normal(ks[5], (D, HID), f32) * s,
        "b1": jnp.zeros((HID,), f32),
        "w2": jax.random.normal(ks[6], (HID, D), f32) * s,
        "b2": jnp.zeros((D,), f32),
        "ln2_g": jnp.ones((D,), f32),
        "ln2_b": jnp.zeros((D,), f32),
        "cw": jax.random.normal(ks[7], (3, D, D), f32) * s,
        "cb": jnp.zeros((D,), f32),
        "bn_g": jnp.ones((D,), f32),
        "bn_b": jnp.zeros((D,), f32),
    }


def _layernorm(t, g, b):
    mu = t.mean(-1, keepdims=True)
    var = t.var(-1, keepdims=True)
    return (t - mu) / jnp.sqrt(var + 1e-3) * g + b


def reference(x, Wq, bq, Wk, bk, Wv, bv, Wo, bo, ln1_g, ln1_b, w1, b1, w2, b2, ln2_g, ln2_b, cw, cb, bn_g, bn_b):
    Bm, Lm, Dm = x.shape
    Hm, dk = Wq.shape[1], Wq.shape[2]
    # multi-head projections
    q = jnp.einsum('bld,dhk->bhlk', x, Wq) + bq[None, :, None, :]
    k = jnp.einsum('bld,dhk->bhlk', x, Wk) + bk[None, :, None, :]
    v = jnp.einsum('bld,dhk->bhlk', x, Wv) + bv[None, :, None, :]
    # ProbSparse attention (Informer): sample keys, measure query sparsity, top-u queries
    U_part = min(FACTOR * int(math.ceil(math.log(Lm))), Lm)
    u = min(FACTOR * int(math.ceil(math.log(Lm))), Lm)
    idx = jax.random.randint(jax.random.key(42), (Lm, U_part), 0, Lm)
    K_sample = k[:, :, idx, :]  # [B,H,L,U,dk]
    QK_sample = jnp.einsum('bhld,bhlud->bhlu', q, K_sample)
    M = QK_sample.max(-1) - QK_sample.mean(-1)  # [B,H,L]
    _, M_top = jax.lax.top_k(M, u)  # [B,H,u]
    Q_reduce = jnp.take_along_axis(q, M_top[..., None], axis=2)  # [B,H,u,dk]
    scores = jnp.einsum('bhud,bhld->bhul', Q_reduce, k) / math.sqrt(dk)
    attn = jax.nn.softmax(scores, axis=-1)
    upd = jnp.einsum('bhul,bhld->bhud', attn, v)
    # non-causal: lazy queries get mean(V) as context, active queries overwritten
    context = jnp.broadcast_to(jnp.mean(v, axis=2, keepdims=True), v.shape)
    bi = jnp.arange(Bm)[:, None, None]
    hi = jnp.arange(Hm)[None, :, None]
    context = context.at[bi, hi, M_top].set(upd)
    attn_out = jnp.einsum('bhld,hdo->blo', context, Wo) + bo
    # residual + LN1 (dropout = identity in deterministic reference)
    out1 = _layernorm(x + attn_out, ln1_g, ln1_b)
    # pointwise conv FFN
    f = jax.nn.elu(jnp.einsum('blo,oh->blh', out1, w1) + b1)
    f = jnp.einsum('blh,ho->blo', f, w2) + b2
    y2 = _layernorm(out1 + f, ln2_g, ln2_b)
    # distilling block: conv1d(k=3, same) -> BN(batch stats) -> elu -> maxpool(k=3,s=2,same)
    z = jax.lax.conv_general_dilated(y2, cw, window_strides=(1,), padding='SAME',
                                     dimension_numbers=('NWC', 'WIO', 'NWC')) + cb
    mu = z.mean(axis=(0, 1), keepdims=True)
    var = z.var(axis=(0, 1), keepdims=True)
    z = (z - mu) / jnp.sqrt(var + 1e-3) * bn_g + bn_b
    z = jax.nn.elu(z)
    z = jax.lax.reduce_window(z, -jnp.inf, jax.lax.max, (1, 3, 1), (1, 2, 1), 'SAME')
    return z

if __name__ == "__main__":
    import jax
    _d = setup_inputs()
    print(jax.jit(kernel)(*tuple(_d.values())))

</pallas_src>

<mosaic_0001>
module attributes {stable_mosaic.version = 14 : i64} {
  func.func @_qkv_body(%arg0: i32, %arg1: i32, %arg2: memref<1x256x768xf32, #tpu.memory_space<vmem>>, %arg3: memref<768x2304xf32, #tpu.memory_space<vmem>>, %arg4: memref<1x2304xf32, #tpu.memory_space<vmem>>, %arg5: memref<1x12x256x64xf32, #tpu.memory_space<vmem>>, %arg6: memref<1x12x256x64xf32, #tpu.memory_space<vmem>>, %arg7: memref<1x12x256x64xf32, #tpu.memory_space<vmem>>) attributes {dimension_semantics = [#tpu.dimension_semantics<arbitrary>, #tpu.dimension_semantics<arbitrary>], iteration_bounds = array<i64: 2, 8>, scalar_prefetch = 0 : i64, scratch_operands = 0 : i64, tpu.core_type = #tpu.core_type<tc>, window_params = [{transform_indices = @transform_0, window_bounds = array<i64: 1, 256, 768>}, {pipeline_mode = #tpu.pipeline_mode<synchronous>, transform_indices = @transform_1, window_bounds = array<i64: 768, 2304>}, {pipeline_mode = #tpu.pipeline_mode<synchronous>, transform_indices = @transform_2, window_bounds = array<i64: 1, 2304>}, {transform_indices = @transform_3, window_bounds = array<i64: 1, 12, 256, 64>}, {transform_indices = @transform_4, window_bounds = array<i64: 1, 12, 256, 64>}, {transform_indices = @transform_5, window_bounds = array<i64: 1, 12, 256, 64>}]} {
    %get3A = arith.constant 0 : index
    %get3A_0 = arith.constant 0 : index
    %get3A_1 = arith.constant 0 : index
    %get3A_2 = vector.load %arg2[%get3A, %get3A_0, %get3A_1] : memref<1x256x768xf32, #tpu.memory_space<vmem>>, vector<1x256x768xf32>
    %get3A_3 = vector.shape_cast %get3A_2 : vector<1x256x768xf32> to vector<256x768xf32>
    %get3A_4 = arith.constant 0 : index
    %get3A_5 = arith.constant 0 : index
    %get3A_6 = vector.load %arg3[%get3A_4, %get3A_5] : memref<768x2304xf32, #tpu.memory_space<vmem>>, vector<768x2304xf32>
    %dot_general3A = arith.constant dense<0.000000e+00> : vector<256x2304xf32>
    %dot_general3A_7 = tpu.matmul %get3A_3, %get3A_6, %dot_general3A {dimension_numbers = #tpu.dot_dimension_numbers<[1], [0], [0], [1], [0, 0, 1, 1], [], []>, transpose_lhs_hint = false} : vector<256x768xf32>, vector<768x2304xf32>, vector<256x2304xf32> -> vector<256x2304xf32>
    %get3A_8 = arith.constant 0 : index
    %get3A_9 = arith.constant 0 : index
    %get3A_10 = vector.load %arg4[%get3A_8, %get3A_9] : memref<1x2304xf32, #tpu.memory_space<vmem>>, vector<1x2304xf32>
    %add3A = vector.broadcast %get3A_10 : vector<1x2304xf32> to vector<256x2304xf32>
    %add3A_11 = arith.addf %dot_general3A_7, %add3A : vector<256x2304xf32>
    %slice3A = vector.extract_strided_slice %add3A_11 {offsets = [0, 0], sizes = [256, 64], strides = [1, 1]} : vector<256x2304xf32> to vector<256x64xf32>
    %swap3A = arith.constant 0 : index
    %swap3A_12 = arith.constant 0 : index
    %swap3A_13 = arith.constant 0 : index
    %swap3A_14 = arith.constant 0 : index
    %swap3A_15 = vector.load %arg5[%swap3A, %swap3A_12, %swap3A_13, %swap3A_14] : memref<1x12x256x64xf32, #tpu.memory_space<vmem>>, vector<1x1x256x64xf32>
    %swap3A_16 = vector.shape_cast %swap3A_15 : vector<1x1x256x64xf32> to vector<256x64xf32>
    %swap3A_17 = vector.shape_cast %slice3A : vector<256x64xf32> to vector<1x1x256x64xf32>
    tpu.vector_store %arg5[%swap3A, %swap3A_12, %swap3A_13, %swap3A_14], %swap3A_17 {strides = array<i32>} : memref<1x12x256x64xf32, #tpu.memory_space<vmem>>, vector<1x1x256x64xf32>,
    %slice3A_18 = vector.extract_strided_slice %add3A_11 {offsets = [0, 768], sizes = [256, 64], strides = [1, 1]} : vector<256x2304xf32> to vector<256x64xf32>
    %swap3A_19 = arith.constant 0 : index
    %swap3A_20 = arith.constant 0 : index
    %swap3A_21 = arith.constant 0 : index
    %swap3A_22 = arith.constant 0 : index
    %swap3A_23 = vector.load %arg6[%swap3A_19, %swap3A_20, %swap3A_21, %swap3A_22] : memref<1x12x256x64xf32, #tpu.memory_space<vmem>>, vector<1x1x256x64xf32>
    %swap3A_24 = vector.shape_cast %swap3A_23 : vector<1x1x256x64xf32> to vector<256x64xf32>
    %swap3A_25 = vector.shape_cast %slice3A_18 : vector<256x64xf32> to vector<1x1x256x64xf32>
    tpu.vector_store %arg6[%swap3A_19, %swap3A_20, %swap3A_21, %swap3A_22], %swap3A_25 {strides = array<i32>} : memref<1x12x256x64xf32, #tpu.memory_space<vmem>>, vector<1x1x256x64xf32>,
    %slice3A_26 = vector.extract_strided_slice %add3A_11 {offsets = [0, 1536], sizes = [256, 64], strides = [1, 1]} : vector<256x2304xf32> to vector<256x64xf32>
    %swap3A_27 = arith.constant 0 : index
    %swap3A_28 = arith.constant 0 : index
    %swap3A_29 = arith.constant 0 : index
    %swap3A_30 = arith.constant 0 : index
    %swap3A_31 = vector.load %arg7[%swap3A_27, %swap3A_28, %swap3A_29, %swap3A_30] : memref<1x12x256x64xf32, #tpu.memory_space<vmem>>, vector<1x1x256x64xf32>
    %swap3A_32 = vector.shape_cast %swap3A_31 : vector<1x1x256x64xf32> to vector<256x64xf32>
    %swap3A_33 = vector.shape_cast %slice3A_26 : vector<256x64xf32> to vector<1x1x256x64xf32>
    tpu.vector_store %arg7[%swap3A_27, %swap3A_28, %swap3A_29, %swap3A_30], %swap3A_33 {strides = array<i32>} : memref<1x12x256x64xf32, #tpu.memory_space<vmem>>, vector<1x1x256x64xf32>,
    %slice3A_34 = vector.extract_strided_slice %add3A_11 {offsets = [0, 64], sizes = [256, 64], strides = [1, 1]} : vector<256x2304xf32> to vector<256x64xf32>
    %swap3A_35 = arith.constant 0 : index
    %swap3A_36 = arith.constant 1 : index
    %swap3A_37 = arith.constant 0 : index
    %swap3A_38 = arith.constant 0 : index
    %swap3A_39 = vector.load %arg5[%swap3A_35, %swap3A_36, %swap3A_37, %swap3A_38] : memref<1x12x256x64xf32, #tpu.memory_space<vmem>>, vector<1x1x256x64xf32>
    %swap3A_40 = vector.shape_cast %swap3A_39 : vector<1x1x256x64xf32> to vector<256x64xf32>
    %swap3A_41 = vector.shape_cast %slice3A_34 : vector<256x64xf32> to vector<1x1x256x64xf32>
    tpu.vector_store %arg5[%swap3A_35, %swap3A_36, %swap3A_37, %swap3A_38], %swap3A_41 {strides = array<i32>} : memref<1x12x256x64xf32, #tpu.memory_space<vmem>>, vector<1x1x256x64xf32>,
    %slice3A_42 = vector.extract_strided_slice %add3A_11 {offsets = [0, 832], sizes = [256, 64], strides = [1, 1]} : vector<256x2304xf32> to vector<256x64xf32>
    %swap3A_43 = arith.constant 0 : index
    %swap3A_44 = arith.constant 1 : index
    %swap3A_45 = arith.constant 0 : index
    %swap3A_46 = arith.constant 0 : index
    %swap3A_47 = vector.load %arg6[%swap3A_43, %swap3A_44, %swap3A_45, %swap3A_46] : memref<1x12x256x64xf32, #tpu.memory_space<vmem>>, vector<1x1x256x64xf32>
    %swap3A_48 = vector.shape_cast %swap3A_47 : vector<1x1x256x64xf32> to vector<256x64xf32>
    %swap3A_49 = vector.shape_cast %slice3A_42 : vector<256x64xf32> to vector<1x1x256x64xf32>
    tpu.vector_store %arg6[%swap3A_43, %swap3A_44, %swap3A_45, %swap3A_46], %swap3A_49 {strides = array<i32>} : memref<1x12x256x64xf32, #tpu.memory_space<vmem>>, vector<1x1x256x64xf32>,
    %slice3A_50 = vector.extract_strided_slice %add3A_11 {offsets = [0, 1600], sizes = [256, 64], strides = [1, 1]} : vector<256x2304xf32> to vector<256x64xf32>
    %swap3A_51 = arith.constant 0 : index
    %swap3A_52 = arith.constant 1 : index
    %swap3A_53 = arith.constant 0 : index
    %swap3A_54 = arith.constant 0 : index
    %swap3A_55 = vector.load %arg7[%swap3A_51, %swap3A_52, %swap3A_53, %swap3A_54] : memref<1x12x256x64xf32, #tpu.memory_space<vmem>>, vector<1x1x256x64xf32>
    %swap3A_56 = vector.shape_cast %swap3A_55 : vector<1x1x256x64xf32> to vector<256x64xf32>
    %swap3A_57 = vector.shape_cast %slice3A_50 : vector<256x64xf32> to vector<1x1x256x64xf32>
    tpu.vector_store %arg7[%swap3A_51, %swap3A_52, %swap3A_53, %swap3A_54], %swap3A_57 {strides = array<i32>} : memref<1x12x256x64xf32, #tpu.memory_space<vmem>>, vector<1x1x256x64xf32>,
    %slice3A_58 = vector.extract_strided_slice %add3A_11 {offsets = [0, 128], sizes = [256, 64], strides = [1, 1]} : vector<256x2304xf32> to vector<256x64xf32>
    %swap3A_59 = arith.constant 0 : index
    %swap3A_60 = arith.constant 2 : index
    %swap3A_61 = arith.constant 0 : index
    %swap3A_62 = arith.constant 0 : index
    %swap3A_63 = vector.load %arg5[%swap3A_59, %swap3A_60, %swap3A_61, %swap3A_62] : memref<1x12x256x64xf32, #tpu.memory_space<vmem>>, vector<1x1x256x64xf32>
    %swap3A_64 = vector.shape_cast %swap3A_63 : vector<1x1x256x64xf32> to vector<256x64xf32>
    %swap3A_65 = vector.shape_cast %slice3A_58 : vector<256x64xf32> to vector<1x1x256x64xf32>
    tpu.vector_store %arg5[%swap3A_59, %swap3A_60, %swap3A_61, %swap3A_62], %swap3A_65 {strides = array<i32>} : memref<1x12x256x64xf32, #tpu.memory_space<vmem>>, vector<1x1x256x64xf32>,
    %slice3A_66 = vector.extract_strided_slice %add3A_11 {offsets = [0, 896], sizes = [256, 64], strides = [1, 1]} : vector<256x2304xf32> to vector<256x64xf32>
    %swap3A_67 = arith.constant 0 : index
    %swap3A_68 = arith.constant 2 : index
    %swap3A_69 = arith.constant 0 : index
    %swap3A_70 = arith.constant 0 : index
    %swap3A_71 = vector.load %arg6[%swap3A_67, %swap3A_68, %swap3A_69, %swap3A_70] : memref<1x12x256x64xf32, #tpu.memory_space<vmem>>, vector<1x1x256x64xf32>
    %swap3A_72 = vector.shape_cast %swap3A_71 : vector<1x1x256x64xf32> to vector<256x64xf32>
    %swap3A_73 = vector.shape_cast %slice3A_66 : vector<256x64xf32> to vector<1x1x256x64xf32>
    tpu.vector_store %arg6[%swap3A_67, %swap3A_68, %swap3A_69, %swap3A_70], %swap3A_73 {strides = array<i32>} : memref<1x12x256x64xf32, #tpu.memory_space<vmem>>, vector<1x1x256x64xf32>,
    %slice3A_74 = vector.extract_strided_slice %add3A_11 {offsets = [0, 1664], sizes = [256, 64], strides = [1, 1]} : vector<256x2304xf32> to vector<256x64xf32>
    %swap3A_75 = arith.constant 0 : index
    %swap3A_76 = arith.constant 2 : index
    %swap3A_77 = arith.constant 0 : index
    %swap3A_78 = arith.constant 0 : index
    %swap3A_79 = vector.load %arg7[%swap3A_75, %swap3A_76, %swap3A_77, %swap3A_78] : memref<1x12x256x64xf32, #tpu.memory_space<vmem>>, vector<1x1x256x64xf32>
    %swap3A_80 = vector.shape_cast %swap3A_79 : vector<1x1x256x64xf32> to vector<256x64xf32>
    %swap3A_81 = vector.shape_cast %slice3A_74 : vector<256x64xf32> to vector<1x1x256x64xf32>
    tpu.vector_store %arg7[%swap3A_75, %swap3A_76, %swap3A_77, %swap3A_78], %swap3A_81 {strides = array<i32>} : memref<1x12x256x64xf32, #tpu.memory_space<vmem>>, vector<1x1x256x64xf32>,
    %slice3A_82 = vector.extract_strided_slice %add3A_11 {offsets = [0, 192], sizes = [256, 64], strides = [1, 1]} : vector<256x2304xf32> to vector<256x64xf32>
    %swap3A_83 = arith.constant 0 : index
    %swap3A_84 = arith.constant 3 : index
    %swap3A_85 = arith.constant 0 : index
    %swap3A_86 = arith.constant 0 : index
    %swap3A_87 = vector.load %arg5[%swap3A_83, %swap3A_84, %swap3A_85, %swap3A_86] : memref<1x12x256x64xf32, #tpu.memory_space<vmem>>, vector<1x1x256x64xf32>
    %swap3A_88 = vector.shape_cast %swap3A_87 : vector<1x1x256x64xf32> to vector<256x64xf32>
    %swap3A_89 = vector.shape_cast %slice3A_82 : vector<256x64xf32> to vector<1x1x256x64xf32>
    tpu.vector_store %arg5[%swap3A_83, %swap3A_84, %swap3A_85, %swap3A_86], %swap3A_89 {strides = array<i32>} : memref<1x12x256x64xf32, #tpu.memory_space<vmem>>, vector<1x1x256x64xf32>,
    %slice3A_90 = vector.extract_strided_slice %add3A_11 {offsets = [0, 960], sizes = [256, 64], strides = [1, 1]} : vector<256x2304xf32> to vector<256x64xf32>
    %swap3A_91 = arith.constant 0 : index
    %swap3A_92 = arith.constant 3 : index
    %swap3A_93 = arith.constant 0 : index
    %swap3A_94 = arith.constant 0 : index
    %swap3A_95 = vector.load %arg6[%swap3A_91, %swap3A_92, %swap3A_93, %swap3A_94] : memref<1x12x256x64xf32, #tpu.memory_space<vmem>>, vector<1x1x256x64xf32>
    %swap3A_96 = vector.shape_cast %swap3A_95 : vector<1x1x256x64xf32> to vector<256x64xf32>
    %swap3A_97 = vector.shape_cast %slice3A_90 : vector<256x64xf32> to vector<1x1x256x64xf32>
    tpu.vector_store %arg6[%swap3A_91, %swap3A_92, %swap3A_93, %swap3A_94], %swap3A_97 {strides = array<i32>} : memref<1x12x256x64xf32, #tpu.memory_space<vmem>>, vector<1x1x256x64xf32>,
    %slice3A_98 = vector.extract_strided_slice %add3A_11 {offsets = [0, 1728], sizes = [256, 64], strides = [1, 1]} : vector<256x2304xf32> to vector<256x64xf32>
    %swap3A_99 = arith.constant 0 : index
    %swap3A_100 = arith.constant 3 : index
    %swap3A_101 = arith.constant 0 : index
    %swap3A_102 = arith.constant 0 : index
    %swap3A_103 = vector.load %arg7[%swap3A_99, %swap3A_100, %swap3A_101, %swap3A_102] : memref<1x12x256x64xf32, #tpu.memory_space<vmem>>, vector<1x1x256x64xf32>
    %swap3A_104 = vector.shape_cast %swap3A_103 : vector<1x1x256x64xf32> to vector<256x64xf32>
    %swap3A_105 = vector.shape_cast %slice3A_98 : vector<256x64xf32> to vector<1x1x256x64xf32>
    tpu.vector_store %arg7[%swap3A_99, %swap3A_100, %swap3A_101, %swap3A_102], %swap3A_105 {strides = array<i32>} : memref<1x12x256x64xf32, #tpu.memory_space<vmem>>, vector<1x1x256x64xf32>,
    %slice3A_106 = vector.extract_strided_slice %add3A_11 {offsets = [0, 256], sizes = [256, 64], strides = [1, 1]} : vector<256x2304xf32> to vector<256x64xf32>
    %swap3A_107 = arith.constant 0 : index
    %swap3A_108 = arith.constant 4 : index
    %swap3A_109 = arith.constant 0 : index
    %swap3A_110 = arith.constant 0 : index
    %swap3A_111 = vector.load %arg5[%swap3A_107, %swap3A_108, %swap3A_109, %swap3A_110] : memref<1x12x256x64xf32, #tpu.memory_space<vmem>>, vector<1x1x256x64xf32>
    %swap3A_112 = vector.shape_cast %swap3A_111 : vector<1x1x256x64xf32> to vector<256x64xf32>
    %swap3A_113 = vector.shape_cast %slice3A_106 : vector<256x64xf32> to vector<1x1x256x64xf32>
    tpu.vector_store %arg5[%swap3A_107, %swap3A_108, %swap3A_109, %swap3A_110], %swap3A_113 {strides = array<i32>} : memref<1x12x256x64xf32, #tpu.memory_space<vmem>>, vector<1x1x256x64xf32>,
    %slice3A_114 = vector.extract_strided_slice %add3A_11 {offsets = [0, 1024], sizes = [256, 64], strides = [1, 1]} : vector<256x2304xf32> to vector<256x64xf32>
    %swap3A_115 = arith.constant 0 : index
    %swap3A_116 = arith.constant 4 : index
    %swap3A_117 = arith.constant 0 : index
    %swap3A_118 = arith.constant 0 : index
    %swap3A_119 = vector.load %arg6[%swap3A_115, %swap3A_116, %swap3A_117, %swap3A_118] : memref<1x12x256x64xf32, #tpu.memory_space<vmem>>, vector<1x1x256x64xf32>
    %swap3A_120 = vector.shape_cast %swap3A_119 : vector<1x1x256x64xf32> to vector<256x64xf32>
    %swap3A_121 = vector.shape_cast %slice3A_114 : vector<256x64xf32> to vector<1x1x256x64xf32>
    tpu.vector_store %arg6[%swap3A_115, %swap3A_116, %swap3A_117, %swap3A_118], %swap3A_121 {strides = array<i32>} : memref<1x12x256x64xf32, #tpu.memory_space<vmem>>, vector<1x1x256x64xf32>,
    %slice3A_122 = vector.extract_strided_slice %add3A_11 {offsets = [0, 1792], sizes = [256, 64], strides = [1, 1]} : vector<256x2304xf32> to vector<256x64xf32>
    %swap3A_123 = arith.constant 0 : index
    %swap3A_124 = arith.constant 4 : index
    %swap3A_125 = arith.constant 0 : index
    %swap3A_126 = arith.constant 0 : index
    %swap3A_127 = vector.load %arg7[%swap3A_123, %swap3A_124, %swap3A_125, %swap3A_126] : memref<1x12x256x64xf32, #tpu.memory_space<vmem>>, vector<1x1x256x64xf32>
    %swap3A_128 = vector.shape_cast %swap3A_127 : vector<1x1x256x64xf32> to vector<256x64xf32>
    %swap3A_129 = vector.shape_cast %slice3A_122 : vector<256x64xf32> to vector<1x1x256x64xf32>
    tpu.vector_store %arg7[%swap3A_123, %swap3A_124, %swap3A_125, %swap3A_126], %swap3A_129 {strides = array<i32>} : memref<1x12x256x64xf32, #tpu.memory_space<vmem>>, vector<1x1x256x64xf32>,
    %slice3A_130 = vector.extract_strided_slice %add3A_11 {offsets = [0, 320], sizes = [256, 64], strides = [1, 1]} : vector<256x2304xf32> to vector<256x64xf32>
    %swap3A_131 = arith.constant 0 : index
    %swap3A_132 = arith.constant 5 : index
    %swap3A_133 = arith.constant 0 : index
    %swap3A_134 = arith.constant 0 : index
    %swap3A_135 = vector.load %arg5[%swap3A_131, %swap3A_132, %swap3A_133, %swap3A_134] : memref<1x12x256x64xf32, #tpu.memory_space<vmem>>, vector<1x1x256x64xf32>
    %swap3A_136 = vector.shape_cast %swap3A_135 : vector<1x1x256x64xf32> to vector<256x64xf32>
    %swap3A_137 = vector.shape_cast %slice3A_130 : vector<256x64xf32> to vector<1x1x256x64xf32>
    tpu.vector_store %arg5[%swap3A_131, %swap3A_132, %swap3A_133, %swap3A_134], %swap3A_137 {strides = array<i32>} : memref<1x12x256x64xf32, #tpu.memory_space<vmem>>, vector<1x1x256x64xf32>,
    %slice3A_138 = vector.extract_strided_slice %add3A_11 {offsets = [0, 1088], sizes = [256, 64], strides = [1, 1]} : vector<256x2304xf32> to vector<256x64xf32>
    %swap3A_139 = arith.constant 0 : index
    %swap3A_140 = arith.constant 5 : index
    %swap3A_141 = arith.constant 0 : index
    %swap3A_142 = arith.constant 0 : index
    %swap3A_143 = vector.load %arg6[%swap3A_139, %swap3A_140, %swap3A_141, %swap3A_142] : memref<1x12x256x64xf32, #tpu.memory_space<vmem>>, vector<1x1x256x64xf32>
    %swap3A_144 = vector.shape_cast %swap3A_143 : vector<1x1x256x64xf32> to vector<256x64xf32>
    %swap3A_145 = vector.shape_cast %slice3A_138 : vector<256x64xf32> to vector<1x1x256x64xf32>
    tpu.vector_store %arg6[%swap3A_139, %swap3A_140, %swap3A_141, %swap3A_142], %swap3A_145 {strides = array<i32>} : memref<1x12x256x64xf32, #tpu.memory_space<vmem>>, vector<1x1x256x64xf32>,
    %slice3A_146 = vector.extract_strided_slice %add3A_11 {offsets = [0, 1856], sizes = [256, 64], strides = [1, 1]} : vector<256x2304xf32> to vector<256x64xf32>
    %swap3A_147 = arith.constant 0 : index
    %swap3A_148 = arith.constant 5 : index
    %swap3A_149 = arith.constant 0 : index
    %swap3A_150 = arith.constant 0 : index
    %swap3A_151 = vector.load %arg7[%swap3A_147, %swap3A_148, %swap3A_149, %swap3A_150] : memref<1x12x256x64xf32, #tpu.memory_space<vmem>>, vector<1x1x256x64xf32>
    %swap3A_152 = vector.shape_cast %swap3A_151 : vector<1x1x256x64xf32> to vector<256x64xf32>
    %swap3A_153 = vector.shape_cast %slice3A_146 : vector<256x64xf32> to vector<1x1x256x64xf32>
    tpu.vector_store %arg7[%swap3A_147, %swap3A_148, %swap3A_149, %swap3A_150], %swap3A_153 {strides = array<i32>} : memref<1x12x256x64xf32, #tpu.memory_space<vmem>>, vector<1x1x256x64xf32>,
    %slice3A_154 = vector.extract_strided_slice %add3A_11 {offsets = [0, 384], sizes = [256, 64], strides = [1, 1]} : vector<256x2304xf32> to vector<256x64xf32>
    %swap3A_155 = arith.constant 0 : index
    %swap3A_156 = arith.constant 6 : index
    %swap3A_157 = arith.constant 0 : index
    %swap3A_158 = arith.constant 0 : index
    %swap3A_159 = vector.load %arg5[%swap3A_155, %swap3A_156, %swap3A_157, %swap3A_158] : memref<1x12x256x64xf32, #tpu.memory_space<vmem>>, vector<1x1x256x64xf32>
    %swap3A_160 = vector.shape_cast %swap3A_159 : vector<1x1x256x64xf32> to vector<256x64xf32>
    %swap3A_161 = vector.shape_cast %slice3A_154 : vector<256x64xf32> to vector<1x1x256x64xf32>
    tpu.vector_store %arg5[%swap3A_155, %swap3A_156, %swap3A_157, %swap3A_158], %swap3A_161 {strides = array<i32>} : memref<1x12x256x64xf32, #tpu.memory_space<vmem>>, vector<1x1x256x64xf32>,
    %slice3A_162 = vector.extract_strided_slice %add3A_11 {offsets = [0, 1152], sizes = [256, 64], strides = [1, 1]} : vector<256x2304xf32> to vector<256x64xf32>
    %swap3A_163 = arith.constant 0 : index
    %swap3A_164 = arith.constant 6 : index
    %swap3A_165 = arith.constant 0 : index
    %swap3A_166 = arith.constant 0 : index
    %swap3A_167 = vector.load %arg6[%swap3A_163, %swap3A_164, %swap3A_165, %swap3A_166] : memref<1x12x256x64xf32, #tpu.memory_space<vmem>>, vector<1x1x256x64xf32>
    %swap3A_168 = vector.shape_cast %swap3A_167 : vector<1x1x256x64xf32> to vector<256x64xf32>
    %swap3A_169 = vector.shape_cast %slice3A_162 : vector<256x64xf32> to vector<1x1x256x64xf32>
    tpu.vector_store %arg6[%swap3A_163, %swap3A_164, %swap3A_165, %swap3A_166], %swap3A_169 {strides = array<i32>} : memref<1x12x256x64xf32, #tpu.memory_space<vmem>>, vector<1x1x256x64xf32>,
    %slice3A_170 = vector.extract_strided_slice %add3A_11 {offsets = [0, 1920], sizes = [256, 64], strides = [1, 1]} : vector<256x2304xf32> to vector<256x64xf32>
    %swap3A_171 = arith.constant 0 : index
    %swap3A_172 = arith.constant 6 : index
    %swap3A_173 = arith.constant 0 : index
    %swap3A_174 = arith.constant 0 : index
    %swap3A_175 = vector.load %arg7[%swap3A_171, %swap3A_172, %swap3A_173, %swap3A_174] : memref<1x12x256x64xf32, #tpu.memory_space<vmem>>, vector<1x1x256x64xf32>
    %swap3A_176 = vector.shape_cast %swap3A_175 : vector<1x1x256x64xf32> to vector<256x64xf32>
    %swap3A_177 = vector.shape_cast %slice3A_170 : vector<256x64xf32> to vector<1x1x256x64xf32>
    tpu.vector_store %arg7[%swap3A_171, %swap3A_172, %swap3A_173, %swap3A_174], %swap3A_177 {strides = array<i32>} : memref<1x12x256x64xf32, #tpu.memory_space<vmem>>, vector<1x1x256x64xf32>,
    %slice3A_178 = vector.extract_strided_slice %add3A_11 {offsets = [0, 448], sizes = [256, 64], strides = [1, 1]} : vector<256x2304xf32> to vector<256x64xf32>
    %swap3A_179 = arith.constant 0 : index
    %swap3A_180 = arith.constant 7 : index
    %swap3A_181 = arith.constant 0 : index
    %swap3A_182 = arith.constant 0 : index
    %swap3A_183 = vector.load %arg5[%swap3A_179, %swap3A_180, %swap3A_181, %swap3A_182] : memref<1x12x256x64xf32, #tpu.memory_space<vmem>>, vector<1x1x256x64xf32>
    %swap3A_184 = vector.shape_cast %swap3A_183 : vector<1x1x256x64xf32> to vector<256x64xf32>
    %swap3A_185 = vector.shape_cast %slice3A_178 : vector<256x64xf32> to vector<1x1x256x64xf32>
    tpu.vector_store %arg5[%swap3A_179, %swap3A_180, %swap3A_181, %swap3A_182], %swap3A_185 {strides = array<i32>} : memref<1x12x256x64xf32, #tpu.memory_space<vmem>>, vector<1x1x256x64xf32>,
    %slice3A_186 = vector.extract_strided_slice %add3A_11 {offsets = [0, 1216], sizes = [256, 64], strides = [1, 1]} : vector<256x2304xf32> to vector<256x64xf32>
    %swap3A_187 = arith.constant 0 : index
    %swap3A_188 = arith.constant 7 : index
    %swap3A_189 = arith.constant 0 : index
    %swap3A_190 = arith.constant 0 : index
    %swap3A_191 = vector.load %arg6[%swap3A_187, %swap3A_188, %swap3A_189, %swap3A_190] : memref<1x12x256x64xf32, #tpu.memory_space<vmem>>, vector<1x1x256x64xf32>
    %swap3A_192 = vector.shape_cast %swap3A_191 : vector<1x1x256x64xf32> to vector<256x64xf32>
    %swap3A_193 = vector.shape_cast %slice3A_186 : vector<256x64xf32> to vector<1x1x256x64xf32>
    tpu.vector_store %arg6[%swap3A_187, %swap3A_188, %swap3A_189, %swap3A_190], %swap3A_193 {strides = array<i32>} : memref<1x12x256x64xf32, #tpu.memory_space<vmem>>, vector<1x1x256x64xf32>,
    %slice3A_194 = vector.extract_strided_slice %add3A_11 {offsets = [0, 1984], sizes = [256, 64], strides = [1, 1]} : vector<256x2304xf32> to vector<256x64xf32>
    %swap3A_195 = arith.constant 0 : index
    %swap3A_196 = arith.constant 7 : index
    %swap3A_197 = arith.constant 0 : index
    %swap3A_198 = arith.constant 0 : index
    %swap3A_199 = vector.load %arg7[%swap3A_195, %swap3A_196, %swap3A_197, %swap3A_198] : memref<1x12x256x64xf32, #tpu.memory_space<vmem>>, vector<1x1x256x64xf32>
    %swap3A_200 = vector.shape_cast %swap3A_199 : vector<1x1x256x64xf32> to vector<256x64xf32>
    %swap3A_201 = vector.shape_cast %slice3A_194 : vector<256x64xf32> to vector<1x1x256x64xf32>
    tpu.vector_store %arg7[%swap3A_195, %swap3A_196, %swap3A_197, %swap3A_198], %swap3A_201 {strides = array<i32>} : memref<1x12x256x64xf32, #tpu.memory_space<vmem>>, vector<1x1x256x64xf32>,
    %slice3A_202 = vector.extract_strided_slice %add3A_11 {offsets = [0, 512], sizes = [256, 64], strides = [1, 1]} : vector<256x2304xf32> to vector<256x64xf32>
    %swap3A_203 = arith.constant 0 : index
    %swap3A_204 = arith.constant 8 : index
    %swap3A_205 = arith.constant 0 : index
    %swap3A_206 = arith.constant 0 : index
    %swap3A_207 = vector.load %arg5[%swap3A_203, %swap3A_204, %swap3A_205, %swap3A_206] : memref<1x12x256x64xf32, #tpu.memory_space<vmem>>, vector<1x1x256x64xf32>
    %swap3A_208 = vector.shape_cast %swap3A_207 : vector<1x1x256x64xf32> to vector<256x64xf32>
    %swap3A_209 = vector.shape_cast %slice3A_202 : vector<256x64xf32> to vector<1x1x256x64xf32>
    tpu.vector_store %arg5[%swap3A_203, %swap3A_204, %swap3A_205, %swap3A_206], %swap3A_209 {strides = array<i32>} : memref<1x12x256x64xf32, #tpu.memory_space<vmem>>, vector<1x1x256x64xf32>,
    %slice3A_210 = vector.extract_strided_slice %add3A_11 {offsets = [0, 1280], sizes = [256, 64], strides = [1, 1]} : vector<256x2304xf32> to vector<256x64xf32>
    %swap3A_211 = arith.constant 0 : index
    %swap3A_212 = arith.constant 8 : index
    %swap3A_213 = arith.constant 0 : index
    %swap3A_214 = arith.constant 0 : index
    %swap3A_215 = vector.load %arg6[%swap3A_211, %swap3A_212, %swap3A_213, %swap3A_214] : memref<1x12x256x64xf32, #tpu.memory_space<vmem>>, vector<1x1x256x64xf32>
    %swap3A_216 = vector.shape_cast %swap3A_215 : vector<1x1x256x64xf32> to vector<256x64xf32>
    %swap3A_217 = vector.shape_cast %slice3A_210 : vector<256x64xf32> to vector<1x1x256x64xf32>
    tpu.vector_store %arg6[%swap3A_211, %swap3A_212, %swap3A_213, %swap3A_214], %swap3A_217 {strides = array<i32>} : memref<1x12x256x64xf32, #tpu.memory_space<vmem>>, vector<1x1x256x64xf32>,
    %slice3A_218 = vector.extract_strided_slice %add3A_11 {offsets = [0, 2048], sizes = [256, 64], strides = [1, 1]} : vector<256x2304xf32> to vector<256x64xf32>
    %swap3A_219 = arith.constant 0 : index
    %swap3A_220 = arith.constant 8 : index
    %swap3A_221 = arith.constant 0 : index
    %swap3A_222 = arith.constant 0 : index
    %swap3A_223 = vector.load %arg7[%swap3A_219, %swap3A_220, %swap3A_221, %swap3A_222] : memref<1x12x256x64xf32, #tpu.memory_space<vmem>>, vector<1x1x256x64xf32>
    %swap3A_224 = vector.shape_cast %swap3A_223 : vector<1x1x256x64xf32> to vector<256x64xf32>
    %swap3A_225 = vector.shape_cast %slice3A_218 : vector<256x64xf32> to vector<1x1x256x64xf32>
    tpu.vector_store %arg7[%swap3A_219, %swap3A_220, %swap3A_221, %swap3A_222], %swap3A_225 {strides = array<i32>} : memref<1x12x256x64xf32, #tpu.memory_space<vmem>>, vector<1x1x256x64xf32>,
    %slice3A_226 = vector.extract_strided_slice %add3A_11 {offsets = [0, 576], sizes = [256, 64], strides = [1, 1]} : vector<256x2304xf32> to vector<256x64xf32>
    %swap3A_227 = arith.constant 0 : index
    %swap3A_228 = arith.constant 9 : index
    %swap3A_229 = arith.constant 0 : index
    %swap3A_230 = arith.constant 0 : index
    %swap3A_231 = vector.load %arg5[%swap3A_227, %swap3A_228, %swap3A_229, %swap3A_230] : memref<1x12x256x64xf32, #tpu.memory_space<vmem>>, vector<1x1x256x64xf32>
    %swap3A_232 = vector.shape_cast %swap3A_231 : vector<1x1x256x64xf32> to vector<256x64xf32>
    %swap3A_233 = vector.shape_cast %slice3A_226 : vector<256x64xf32> to vector<1x1x256x64xf32>
    tpu.vector_store %arg5[%swap3A_227, %swap3A_228, %swap3A_229, %swap3A_230], %swap3A_233 {strides = array<i32>} : memref<1x12x256x64xf32, #tpu.memory_space<vmem>>, vector<1x1x256x64xf32>,
    %slice3A_234 = vector.extract_strided_slice %add3A_11 {offsets = [0, 1344], sizes = [256, 64], strides = [1, 1]} : vector<256x2304xf32> to vector<256x64xf32>
    %swap3A_235 = arith.constant 0 : index
    %swap3A_236 = arith.constant 9 : index
    %swap3A_237 = arith.constant 0 : index
    %swap3A_238 = arith.constant 0 : index
    %swap3A_239 = vector.load %arg6[%swap3A_235, %swap3A_236, %swap3A_237, %swap3A_238] : memref<1x12x256x64xf32, #tpu.memory_space<vmem>>, vector<1x1x256x64xf32>
    %swap3A_240 = vector.shape_cast %swap3A_239 : vector<1x1x256x64xf32> to vector<256x64xf32>
    %swap3A_241 = vector.shape_cast %slice3A_234 : vector<256x64xf32> to vector<1x1x256x64xf32>
    tpu.vector_store %arg6[%swap3A_235, %swap3A_236, %swap3A_237, %swap3A_238], %swap3A_241 {strides = array<i32>} : memref<1x12x256x64xf32, #tpu.memory_space<vmem>>, vector<1x1x256x64xf32>,
    %slice3A_242 = vector.extract_strided_slice %add3A_11 {offsets = [0, 2112], sizes = [256, 64], strides = [1, 1]} : vector<256x2304xf32> to vector<256x64xf32>
    %swap3A_243 = arith.constant 0 : index
    %swap3A_244 = arith.constant 9 : index
    %swap3A_245 = arith.constant 0 : index
    %swap3A_246 = arith.constant 0 : index
    %swap3A_247 = vector.load %arg7[%swap3A_243, %swap3A_244, %swap3A_245, %swap3A_246] : memref<1x12x256x64xf32, #tpu.memory_space<vmem>>, vector<1x1x256x64xf32>
    %swap3A_248 = vector.shape_cast %swap3A_247 : vector<1x1x256x64xf32> to vector<256x64xf32>
    %swap3A_249 = vector.shape_cast %slice3A_242 : vector<256x64xf32> to vector<1x1x256x64xf32>
    tpu.vector_store %arg7[%swap3A_243, %swap3A_244, %swap3A_245, %swap3A_246], %swap3A_249 {strides = array<i32>} : memref<1x12x256x64xf32, #tpu.memory_space<vmem>>, vector<1x1x256x64xf32>,
    %slice3A_250 = vector.extract_strided_slice %add3A_11 {offsets = [0, 640], sizes = [256, 64], strides = [1, 1]} : vector<256x2304xf32> to vector<256x64xf32>
    %swap3A_251 = arith.constant 0 : index
    %swap3A_252 = arith.constant 10 : index
    %swap3A_253 = arith.constant 0 : index
    %swap3A_254 = arith.constant 0 : index
    %swap3A_255 = vector.load %arg5[%swap3A_251, %swap3A_252, %swap3A_253, %swap3A_254] : memref<1x12x256x64xf32, #tpu.memory_space<vmem>>, vector<1x1x256x64xf32>
    %swap3A_256 = vector.shape_cast %swap3A_255 : vector<1x1x256x64xf32> to vector<256x64xf32>
    %swap3A_257 = vector.shape_cast %slice3A_250 : vector<256x64xf32> to vector<1x1x256x64xf32>
    tpu.vector_store %arg5[%swap3A_251, %swap3A_252, %swap3A_253, %swap3A_254], %swap3A_257 {strides = array<i32>} : memref<1x12x256x64xf32, #tpu.memory_space<vmem>>, vector<1x1x256x64xf32>,
    %slice3A_258 = vector.extract_strided_slice %add3A_11 {offsets = [0, 1408], sizes = [256, 64], strides = [1, 1]} : vector<256x2304xf32> to vector<256x64xf32>
    %swap3A_259 = arith.constant 0 : index
    %swap3A_260 = arith.constant 10 : index
    %swap3A_261 = arith.constant 0 : index
    %swap3A_262 = arith.constant 0 : index
    %swap3A_263 = vector.load %arg6[%swap3A_259, %swap3A_260, %swap3A_261, %swap3A_262] : memref<1x12x256x64xf32, #tpu.memory_space<vmem>>, vector<1x1x256x64xf32>
    %swap3A_264 = vector.shape_cast %swap3A_263 : vector<1x1x256x64xf32> to vector<256x64xf32>
    %swap3A_265 = vector.shape_cast %slice3A_258 : vector<256x64xf32> to vector<1x1x256x64xf32>
    tpu.vector_store %arg6[%swap3A_259, %swap3A_260, %swap3A_261, %swap3A_262], %swap3A_265 {strides = array<i32>} : memref<1x12x256x64xf32, #tpu.memory_space<vmem>>, vector<1x1x256x64xf32>,
    %slice3A_266 = vector.extract_strided_slice %add3A_11 {offsets = [0, 2176], sizes = [256, 64], strides = [1, 1]} : vector<256x2304xf32> to vector<256x64xf32>
    %swap3A_267 = arith.constant 0 : index
    %swap3A_268 = arith.constant 10 : index
    %swap3A_269 = arith.constant 0 : index
    %swap3A_270 = arith.constant 0 : index
    %swap3A_271 = vector.load %arg7[%swap3A_267, %swap3A_268, %swap3A_269, %swap3A_270] : memref<1x12x256x64xf32, #tpu.memory_space<vmem>>, vector<1x1x256x64xf32>
    %swap3A_272 = vector.shape_cast %swap3A_271 : vector<1x1x256x64xf32> to vector<256x64xf32>
    %swap3A_273 = vector.shape_cast %slice3A_266 : vector<256x64xf32> to vector<1x1x256x64xf32>
    tpu.vector_store %arg7[%swap3A_267, %swap3A_268, %swap3A_269, %swap3A_270], %swap3A_273 {strides = array<i32>} : memref<1x12x256x64xf32, #tpu.memory_space<vmem>>, vector<1x1x256x64xf32>,
    %slice3A_274 = vector.extract_strided_slice %add3A_11 {offsets = [0, 704], sizes = [256, 64], strides = [1, 1]} : vector<256x2304xf32> to vector<256x64xf32>
    %swap3A_275 = arith.constant 0 : index
    %swap3A_276 = arith.constant 11 : index
    %swap3A_277 = arith.constant 0 : index
    %swap3A_278 = arith.constant 0 : index
    %swap3A_279 = vector.load %arg5[%swap3A_275, %swap3A_276, %swap3A_277, %swap3A_278] : memref<1x12x256x64xf32, #tpu.memory_space<vmem>>, vector<1x1x256x64xf32>
    %swap3A_280 = vector.shape_cast %swap3A_279 : vector<1x1x256x64xf32> to vector<256x64xf32>
    %swap3A_281 = vector.shape_cast %slice3A_274 : vector<256x64xf32> to vector<1x1x256x64xf32>
    tpu.vector_store %arg5[%swap3A_275, %swap3A_276, %swap3A_277, %swap3A_278], %swap3A_281 {strides = array<i32>} : memref<1x12x256x64xf32, #tpu.memory_space<vmem>>, vector<1x1x256x64xf32>,
    %slice3A_282 = vector.extract_strided_slice %add3A_11 {offsets = [0, 1472], sizes = [256, 64], strides = [1, 1]} : vector<256x2304xf32> to vector<256x64xf32>
    %swap3A_283 = arith.constant 0 : index
    %swap3A_284 = arith.constant 11 : index
    %swap3A_285 = arith.constant 0 : index
    %swap3A_286 = arith.constant 0 : index
    %swap3A_287 = vector.load %arg6[%swap3A_283, %swap3A_284, %swap3A_285, %swap3A_286] : memref<1x12x256x64xf32, #tpu.memory_space<vmem>>, vector<1x1x256x64xf32>
    %swap3A_288 = vector.shape_cast %swap3A_287 : vector<1x1x256x64xf32> to vector<256x64xf32>
    %swap3A_289 = vector.shape_cast %slice3A_282 : vector<256x64xf32> to vector<1x1x256x64xf32>
    tpu.vector_store %arg6[%swap3A_283, %swap3A_284, %swap3A_285, %swap3A_286], %swap3A_289 {strides = array<i32>} : memref<1x12x256x64xf32, #tpu.memory_space<vmem>>, vector<1x1x256x64xf32>,
    %slice3A_290 = vector.extract_strided_slice %add3A_11 {offsets = [0, 2240], sizes = [256, 64], strides = [1, 1]} : vector<256x2304xf32> to vector<256x64xf32>
    %swap3A_291 = arith.constant 0 : index
    %swap3A_292 = arith.constant 11 : index
    %swap3A_293 = arith.constant 0 : index
    %swap3A_294 = arith.constant 0 : index
    %swap3A_295 = vector.load %arg7[%swap3A_291, %swap3A_292, %swap3A_293, %swap3A_294] : memref<1x12x256x64xf32, #tpu.memory_space<vmem>>, vector<1x1x256x64xf32>
    %swap3A_296 = vector.shape_cast %swap3A_295 : vector<1x1x256x64xf32> to vector<256x64xf32>
    %swap3A_297 = vector.shape_cast %slice3A_290 : vector<256x64xf32> to vector<1x1x256x64xf32>
    tpu.vector_store %arg7[%swap3A_291, %swap3A_292, %swap3A_293, %swap3A_294], %swap3A_297 {strides = array<i32>} : memref<1x12x256x64xf32, #tpu.memory_space<vmem>>, vector<1x1x256x64xf32>,
    return
  }
  func.func @transform_0(%arg0: i32, %arg1: i32) -> (i32, i32, i32) {
    %c0_i32 = arith.constant 0 : i32
    %c0_i32_0 = arith.constant 0 : i32
    return %arg0, %arg1, %c0_i32 : i32, i32, i32
  }
  func.func @transform_1(%arg0: i32, %arg1: i32) -> (i32, i32) {
    %c0_i32 = arith.constant 0 : i32
    %c0_i32_0 = arith.constant 0 : i32
    %c0_i32_1 = arith.constant 0 : i32
    return %c0_i32, %c0_i32_0 : i32, i32
  }
  func.func @transform_2(%arg0: i32, %arg1: i32) -> (i32, i32) {
    %c0_i32 = arith.constant 0 : i32
    %c0_i32_0 = arith.constant 0 : i32
    %c0_i32_1 = arith.constant 0 : i32
    return %c0_i32, %c0_i32_0 : i32, i32
  }
  func.func @transform_3(%arg0: i32, %arg1: i32) -> (i32, i32, i32, i32) {
    %c0_i32 = arith.constant 0 : i32
    %c0_i32_0 = arith.constant 0 : i32
    %c0_i32_1 = arith.constant 0 : i32
    return %arg0, %c0_i32, %arg1, %c0_i32_0 : i32, i32, i32, i32
  }
  func.func @transform_4(%arg0: i32, %arg1: i32) -> (i32, i32, i32, i32) {
    %c0_i32 = arith.constant 0 : i32
    %c0_i32_0 = arith.constant 0 : i32
    %c0_i32_1 = arith.constant 0 : i32
    return %arg0, %c0_i32, %arg1, %c0_i32_0 : i32, i32, i32, i32
  }
  func.func @transform_5(%arg0: i32, %arg1: i32) -> (i32, i32, i32, i32) {
    %c0_i32 = arith.constant 0 : i32
    %c0_i32_0 = arith.constant 0 : i32
    %c0_i32_1 = arith.constant 0 : i32
    return %arg0, %c0_i32, %arg1, %c0_i32_0 : i32, i32, i32, i32
  }
}

module attributes {stable_mosaic.version = 14 : i64} {
  func.func @_m_body(%arg0: i32, %arg1: memref<2x12x128x64xf32, #tpu.memory_space<vmem>>, %arg2: memref<2x12x2048x64xf32, #tpu.memory_space<vmem>>, %arg3: memref<2048x128xf32, #tpu.memory_space<vmem>>, %arg4: memref<24x128xf32, #tpu.memory_space<vmem>>) attributes {dimension_semantics = [#tpu.dimension_semantics<arbitrary>], iteration_bounds = array<i64: 16>, scalar_prefetch = 0 : i64, scratch_operands = 0 : i64, tpu.core_type = #tpu.core_type<tc>, window_params = [{transform_indices = @transform_0, window_bounds = array<i64: 2, 12, 128, 64>}, {pipeline_mode = #tpu.pipeline_mode<synchronous>, transform_indices = @transform_1, window_bounds = array<i64: 2, 12, 2048, 64>}, {transform_indices = @transform_2, window_bounds = array<i64: 2048, 128>}, {transform_indices = @transform_3, window_bounds = array<i64: 24, 128>}]} {
    %get3A = arith.constant 0 : index
    %get3A_0 = arith.constant 0 : index
    %get3A_1 = vector.load %arg3[%get3A, %get3A_0] : memref<2048x128xf32, #tpu.memory_space<vmem>>, vector<2048x128xf32>
    %gt3A = arith.constant 0.000000e+00 : f32
    %gt3A_2 = vector.broadcast %gt3A : f32 to vector<2048x128xf32>
    %gt3A_3 = arith.cmpf ogt, %get3A_1, %gt3A_2 : vector<2048x128xf32>
    %get3A_4 = arith.constant 0 : index
    %get3A_5 = arith.constant 0 : index
    %get3A_6 = arith.constant 0 : index
    %get3A_7 = arith.constant 0 : index
    %get3A_8 = vector.load %arg1[%get3A_4, %get3A_5, %get3A_6, %get3A_7] : memref<2x12x128x64xf32, #tpu.memory_space<vmem>>, vector<1x1x128x64xf32>
    %get3A_9 = vector.shape_cast %get3A_8 : vector<1x1x128x64xf32> to vector<128x64xf32>
    %get3A_10 = arith.constant 0 : index
    %get3A_11 = arith.constant 0 : index
    %get3A_12 = arith.constant 0 : index
    %get3A_13 = arith.constant 0 : index
    %get3A_14 = vector.load %arg2[%get3A_10, %get3A_11, %get3A_12, %get3A_13] : memref<2x12x2048x64xf32, #tpu.memory_space<vmem>>, vector<1x1x2048x64xf32>
    %get3A_15 = vector.shape_cast %get3A_14 : vector<1x1x2048x64xf32> to vector<2048x64xf32>
    %dot_general3A = arith.constant dense<0.000000e+00> : vector<2048x128xf32>
    %dot_general3A_16 = tpu.matmul %get3A_15, %get3A_9, %dot_general3A {dimension_numbers = #tpu.dot_dimension_numbers<[1], [1], [0], [0], [0, 0, 1, 0], [], []>, transpose_lhs_hint = false} : vector<2048x64xf32>, vector<128x64xf32>, vector<2048x128xf32> -> vector<2048x128xf32>
    %jit3A = arith.constant 0xFF800000 : f32
    %broadcast_in_dim3A = vector.broadcast %jit3A : f32 to vector<2048x128xf32>
    %select_n3A = arith.select %gt3A_3, %dot_general3A_16, %broadcast_in_dim3A : vector<2048x128xi1>, vector<2048x128xf32>
    %reduce_max3A = arith.constant dense<0xFF800000> : vector<128xf32>
    %reduce_max3A_17 = vector.multi_reduction <maximumf>, %select_n3A, %reduce_max3A [0] : vector<2048x128xf32> to vector<128xf32>
    %broadcast_in_dim3A_18 = vector.shape_cast %reduce_max3A_17 : vector<128xf32> to vector<1x128xf32>
    %mul3A = arith.mulf %dot_general3A_16, %get3A_1 : vector<2048x128xf32>
    %reduce_sum3A = arith.constant dense<0.000000e+00> : vector<128xf32>
    %reduce_sum3A_19 = vector.multi_reduction <add>, %mul3A, %reduce_sum3A [0] : vector<2048x128xf32> to vector<128xf32>
    %broadcast_in_dim3A_20 = vector.shape_cast %reduce_sum3A_19 : vector<128xf32> to vector<1x128xf32>
    %mul3A_21 = arith.constant 3.125000e-02 : f32
    %mul3A_22 = vector.broadcast %mul3A_21 : f32 to vector<1x128xf32>
    %mul3A_23 = arith.mulf %broadcast_in_dim3A_20, %mul3A_22 : vector<1x128xf32>
    %sub3A = arith.subf %broadcast_in_dim3A_18, %mul3A_23 : vector<1x128xf32>
    %swap3A = arith.constant 0 : index
    %swap3A_24 = arith.constant 0 : index
    %swap3A_25 = vector.load %arg4[%swap3A, %swap3A_24] : memref<24x128xf32, #tpu.memory_space<vmem>>, vector<1x128xf32>
    tpu.vector_store %arg4[%swap3A, %swap3A_24], %sub3A {strides = array<i32>} : memref<24x128xf32, #tpu.memory_space<vmem>>, vector<1x128xf32>,
    %get3A_26 = arith.constant 0 : index
    %get3A_27 = arith.constant 1 : index
    %get3A_28 = arith.constant 0 : index
    %get3A_29 = arith.constant 0 : index
    %get3A_30 = vector.load %arg1[%get3A_26, %get3A_27, %get3A_28, %get3A_29] : memref<2x12x128x64xf32, #tpu.memory_space<vmem>>, vector<1x1x128x64xf32>
    %get3A_31 = vector.shape_cast %get3A_30 : vector<1x1x128x64xf32> to vector<128x64xf32>
    %get3A_32 = arith.constant 0 : index
    %get3A_33 = arith.constant 1 : index
    %get3A_34 = arith.constant 0 : index
    %get3A_35 = arith.constant 0 : index
    %get3A_36 = vector.load %arg2[%get3A_32, %get3A_33, %get3A_34, %get3A_35] : memref<2x12x2048x64xf32, #tpu.memory_space<vmem>>, vector<1x1x2048x64xf32>
    %get3A_37 = vector.shape_cast %get3A_36 : vector<1x1x2048x64xf32> to vector<2048x64xf32>
    %dot_general3A_38 = arith.constant dense<0.000000e+00> : vector<2048x128xf32>
    %dot_general3A_39 = tpu.matmul %get3A_37, %get3A_31, %dot_general3A_38 {dimension_numbers = #tpu.dot_dimension_numbers<[1], [1], [0], [0], [0, 0, 1, 0], [], []>, transpose_lhs_hint = false} : vector<2048x64xf32>, vector<128x64xf32>, vector<2048x128xf32> -> vector<2048x128xf32>
    %jit3A_40 = arith.constant 0xFF800000 : f32
    %broadcast_in_dim3A_41 = vector.broadcast %jit3A_40 : f32 to vector<2048x128xf32>
    %select_n3A_42 = arith.select %gt3A_3, %dot_general3A_39, %broadcast_in_dim3A_41 : vector<2048x128xi1>, vector<2048x128xf32>
    %reduce_max3A_43 = arith.constant dense<0xFF800000> : vector<128xf32>
    %reduce_max3A_44 = vector.multi_reduction <maximumf>, %select_n3A_42, %reduce_max3A_43 [0] : vector<2048x128xf32> to vector<128xf32>
    %broadcast_in_dim3A_45 = vector.shape_cast %reduce_max3A_44 : vector<128xf32> to vector<1x128xf32>
    %mul3A_46 = arith.mulf %dot_general3A_39, %get3A_1 : vector<2048x128xf32>
    %reduce_sum3A_47 = arith.constant dense<0.000000e+00> : vector<128xf32>
    %reduce_sum3A_48 = vector.multi_reduction <add>, %mul3A_46, %reduce_sum3A_47 [0] : vector<2048x128xf32> to vector<128xf32>
    %broadcast_in_dim3A_49 = vector.shape_cast %reduce_sum3A_48 : vector<128xf32> to vector<1x128xf32>
    %mul3A_50 = arith.constant 3.125000e-02 : f32
    %mul3A_51 = vector.broadcast %mul3A_50 : f32 to vector<1x128xf32>
    %mul3A_52 = arith.mulf %broadcast_in_dim3A_49, %mul3A_51 : vector<1x128xf32>
    %sub3A_53 = arith.subf %broadcast_in_dim3A_45, %mul3A_52 : vector<1x128xf32>
    %swap3A_54 = arith.constant 1 : index
    %swap3A_55 = arith.constant 0 : index
    %swap3A_56 = vector.load %arg4[%swap3A_54, %swap3A_55] : memref<24x128xf32, #tpu.memory_space<vmem>>, vector<1x128xf32>
    tpu.vector_store %arg4[%swap3A_54, %swap3A_55], %sub3A_53 {strides = array<i32>} : memref<24x128xf32, #tpu.memory_space<vmem>>, vector<1x128xf32>,
    %get3A_57 = arith.constant 0 : index
    %get3A_58 = arith.constant 2 : index
    %get3A_59 = arith.constant 0 : index
    %get3A_60 = arith.constant 0 : index
    %get3A_61 = vector.load %arg1[%get3A_57, %get3A_58, %get3A_59, %get3A_60] : memref<2x12x128x64xf32, #tpu.memory_space<vmem>>, vector<1x1x128x64xf32>
    %get3A_62 = vector.shape_cast %get3A_61 : vector<1x1x128x64xf32> to vector<128x64xf32>
    %get3A_63 = arith.constant 0 : index
    %get3A_64 = arith.constant 2 : index
    %get3A_65 = arith.constant 0 : index
    %get3A_66 = arith.constant 0 : index
    %get3A_67 = vector.load %arg2[%get3A_63, %get3A_64, %get3A_65, %get3A_66] : memref<2x12x2048x64xf32, #tpu.memory_space<vmem>>, vector<1x1x2048x64xf32>
    %get3A_68 = vector.shape_cast %get3A_67 : vector<1x1x2048x64xf32> to vector<2048x64xf32>
    %dot_general3A_69 = arith.constant dense<0.000000e+00> : vector<2048x128xf32>
    %dot_general3A_70 = tpu.matmul %get3A_68, %get3A_62, %dot_general3A_69 {dimension_numbers = #tpu.dot_dimension_numbers<[1], [1], [0], [0], [0, 0, 1, 0], [], []>, transpose_lhs_hint = false} : vector<2048x64xf32>, vector<128x64xf32>, vector<2048x128xf32> -> vector<2048x128xf32>
    %jit3A_71 = arith.constant 0xFF800000 : f32
    %broadcast_in_dim3A_72 = vector.broadcast %jit3A_71 : f32 to vector<2048x128xf32>
    %select_n3A_73 = arith.select %gt3A_3, %dot_general3A_70, %broadcast_in_dim3A_72 : vector<2048x128xi1>, vector<2048x128xf32>
    %reduce_max3A_74 = arith.constant dense<0xFF800000> : vector<128xf32>
    %reduce_max3A_75 = vector.multi_reduction <maximumf>, %select_n3A_73, %reduce_max3A_74 [0] : vector<2048x128xf32> to vector<128xf32>
    %broadcast_in_dim3A_76 = vector.shape_cast %reduce_max3A_75 : vector<128xf32> to vector<1x128xf32>
    %mul3A_77 = arith.mulf %dot_general3A_70, %get3A_1 : vector<2048x128xf32>
    %reduce_sum3A_78 = arith.constant dense<0.000000e+00> : vector<128xf32>
    %reduce_sum3A_79 = vector.multi_reduction <add>, %mul3A_77, %reduce_sum3A_78 [0] : vector<2048x128xf32> to vector<128xf32>
    %broadcast_in_dim3A_80 = vector.shape_cast %reduce_sum3A_79 : vector<128xf32> to vector<1x128xf32>
    %mul3A_81 = arith.constant 3.125000e-02 : f32
    %mul3A_82 = vector.broadcast %mul3A_81 : f32 to vector<1x128xf32>
    %mul3A_83 = arith.mulf %broadcast_in_dim3A_80, %mul3A_82 : vector<1x128xf32>
    %sub3A_84 = arith.subf %broadcast_in_dim3A_76, %mul3A_83 : vector<1x128xf32>
    %swap3A_85 = arith.constant 2 : index
    %swap3A_86 = arith.constant 0 : index
    %swap3A_87 = vector.load %arg4[%swap3A_85, %swap3A_86] : memref<24x128xf32, #tpu.memory_space<vmem>>, vector<1x128xf32>
    tpu.vector_store %arg4[%swap3A_85, %swap3A_86], %sub3A_84 {strides = array<i32>} : memref<24x128xf32, #tpu.memory_space<vmem>>, vector<1x128xf32>,
    %get3A_88 = arith.constant 0 : index
    %get3A_89 = arith.constant 3 : index
    %get3A_90 = arith.constant 0 : index
    %get3A_91 = arith.constant 0 : index
    %get3A_92 = vector.load %arg1[%get3A_88, %get3A_89, %get3A_90, %get3A_91] : memref<2x12x128x64xf32, #tpu.memory_space<vmem>>, vector<1x1x128x64xf32>
    %get3A_93 = vector.shape_cast %get3A_92 : vector<1x1x128x64xf32> to vector<128x64xf32>
    %get3A_94 = arith.constant 0 : index
    %get3A_95 = arith.constant 3 : index
    %get3A_96 = arith.constant 0 : index
    %get3A_97 = arith.constant 0 : index
    %get3A_98 = vector.load %arg2[%get3A_94, %get3A_95, %get3A_96, %get3A_97] : memref<2x12x2048x64xf32, #tpu.memory_space<vmem>>, vector<1x1x2048x64xf32>
    %get3A_99 = vector.shape_cast %get3A_98 : vector<1x1x2048x64xf32> to vector<2048x64xf32>
    %dot_general3A_100 = arith.constant dense<0.000000e+00> : vector<2048x128xf32>
    %dot_general3A_101 = tpu.matmul %get3A_99, %get3A_93, %dot_general3A_100 {dimension_numbers = #tpu.dot_dimension_numbers<[1], [1], [0], [0], [0, 0, 1, 0], [], []>, transpose_lhs_hint = false} : vector<2048x64xf32>, vector<128x64xf32>, vector<2048x128xf32> -> vector<2048x128xf32>
    %jit3A_102 = arith.constant 0xFF800000 : f32
    %broadcast_in_dim3A_103 = vector.broadcast %jit3A_102 : f32 to vector<2048x128xf32>
    %select_n3A_104 = arith.select %gt3A_3, %dot_general3A_101, %broadcast_in_dim3A_103 : vector<2048x128xi1>, vector<2048x128xf32>
    %reduce_max3A_105 = arith.constant dense<0xFF800000> : vector<128xf32>
    %reduce_max3A_106 = vector.multi_reduction <maximumf>, %select_n3A_104, %reduce_max3A_105 [0] : vector<2048x128xf32> to vector<128xf32>
    %broadcast_in_dim3A_107 = vector.shape_cast %reduce_max3A_106 : vector<128xf32> to vector<1x128xf32>
    %mul3A_108 = arith.mulf %dot_general3A_101, %get3A_1 : vector<2048x128xf32>
    %reduce_sum3A_109 = arith.constant dense<0.000000e+00> : vector<128xf32>
    %reduce_sum3A_110 = vector.multi_reduction <add>, %mul3A_108, %reduce_sum3A_109 [0] : vector<2048x128xf32> to vector<128xf32>
    %broadcast_in_dim3A_111 = vector.shape_cast %reduce_sum3A_110 : vector<128xf32> to vector<1x128xf32>
    %mul3A_112 = arith.constant 3.125000e-02 : f32
    %mul3A_113 = vector.broadcast %mul3A_112 : f32 to vector<1x128xf32>
    %mul3A_114 = arith.mulf %broadcast_in_dim3A_111, %mul3A_113 : vector<1x128xf32>
    %sub3A_115 = arith.subf %broadcast_in_dim3A_107, %mul3A_114 : vector<1x128xf32>
    %swap3A_116 = arith.constant 3 : index
    %swap3A_117 = arith.constant 0 : index
    %swap3A_118 = vector.load %arg4[%swap3A_116, %swap3A_117] : memref<24x128xf32, #tpu.memory_space<vmem>>, vector<1x128xf32>
    tpu.vector_store %arg4[%swap3A_116, %swap3A_117], %sub3A_115 {strides = array<i32>} : memref<24x128xf32, #tpu.memory_space<vmem>>, vector<1x128xf32>,
    %get3A_119 = arith.constant 0 : index
    %get3A_120 = arith.constant 4 : index
    %get3A_121 = arith.constant 0 : index
    %get3A_122 = arith.constant 0 : index
    %get3A_123 = vector.load %arg1[%get3A_119, %get3A_120, %get3A_121, %get3A_122] : memref<2x12x128x64xf32, #tpu.memory_space<vmem>>, vector<1x1x128x64xf32>
    %get3A_124 = vector.shape_cast %get3A_123 : vector<1x1x128x64xf32> to vector<128x64xf32>
    %get3A_125 = arith.constant 0 : index
    %get3A_126 = arith.constant 4 : index
    %get3A_127 = arith.constant 0 : index
    %get3A_128 = arith.constant 0 : index
    %get3A_129 = vector.load %arg2[%get3A_125, %get3A_126, %get3A_127, %get3A_128] : memref<2x12x2048x64xf32, #tpu.memory_space<vmem>>, vector<1x1x2048x64xf32>
    %get3A_130 = vector.shape_cast %get3A_129 : vector<1x1x2048x64xf32> to vector<2048x64xf32>
    %dot_general3A_131 = arith.constant dense<0.000000e+00> : vector<2048x128xf32>
    %dot_general3A_132 = tpu.matmul %get3A_130, %get3A_124, %dot_general3A_131 {dimension_numbers = #tpu.dot_dimension_numbers<[1], [1], [0], [0], [0, 0, 1, 0], [], []>, transpose_lhs_hint = false} : vector<2048x64xf32>, vector<128x64xf32>, vector<2048x128xf32> -> vector<2048x128xf32>
    %jit3A_133 = arith.constant 0xFF800000 : f32
    %broadcast_in_dim3A_134 = vector.broadcast %jit3A_133 : f32 to vector<2048x128xf32>
    %select_n3A_135 = arith.select %gt3A_3, %dot_general3A_132, %broadcast_in_dim3A_134 : vector<2048x128xi1>, vector<2048x128xf32>
    %reduce_max3A_136 = arith.constant dense<0xFF800000> : vector<128xf32>
    %reduce_max3A_137 = vector.multi_reduction <maximumf>, %select_n3A_135, %reduce_max3A_136 [0] : vector<2048x128xf32> to vector<128xf32>
    %broadcast_in_dim3A_138 = vector.shape_cast %reduce_max3A_137 : vector<128xf32> to vector<1x128xf32>
    %mul3A_139 = arith.mulf %dot_general3A_132, %get3A_1 : vector<2048x128xf32>
    %reduce_sum3A_140 = arith.constant dense<0.000000e+00> : vector<128xf32>
    %reduce_sum3A_141 = vector.multi_reduction <add>, %mul3A_139, %reduce_sum3A_140 [0] : vector<2048x128xf32> to vector<128xf32>
    %broadcast_in_dim3A_142 = vector.shape_cast %reduce_sum3A_141 : vector<128xf32> to vector<1x128xf32>
    %mul3A_143 = arith.constant 3.125000e-02 : f32
    %mul3A_144 = vector.broadcast %mul3A_143 : f32 to vector<1x128xf32>
    %mul3A_145 = arith.mulf %broadcast_in_dim3A_142, %mul3A_144 : vector<1x128xf32>
    %sub3A_146 = arith.subf %broadcast_in_dim3A_138, %mul3A_145 : vector<1x128xf32>
    %swap3A_147 = arith.constant 4 : index
    %swap3A_148 = arith.constant 0 : index
    %swap3A_149 = vector.load %arg4[%swap3A_147, %swap3A_148] : memref<24x128xf32, #tpu.memory_space<vmem>>, vector<1x128xf32>
    tpu.vector_store %arg4[%swap3A_147, %swap3A_148], %sub3A_146 {strides = array<i32>} : memref<24x128xf32, #tpu.memory_space<vmem>>, vector<1x128xf32>,
    %get3A_150 = arith.constant 0 : index
    %get3A_151 = arith.constant 5 : index
    %get3A_152 = arith.constant 0 : index
    %get3A_153 = arith.constant 0 : index
    %get3A_154 = vector.load %arg1[%get3A_150, %get3A_151, %get3A_152, %get3A_153] : memref<2x12x128x64xf32, #tpu.memory_space<vmem>>, vector<1x1x128x64xf32>
    %get3A_155 = vector.shape_cast %get3A_154 : vector<1x1x128x64xf32> to vector<128x64xf32>
    %get3A_156 = arith.constant 0 : index
    %get3A_157 = arith.constant 5 : index
    %get3A_158 = arith.constant 0 : index
    %get3A_159 = arith.constant 0 : index
    %get3A_160 = vector.load %arg2[%get3A_156, %get3A_157, %get3A_158, %get3A_159] : memref<2x12x2048x64xf32, #tpu.memory_space<vmem>>, vector<1x1x2048x64xf32>
    %get3A_161 = vector.shape_cast %get3A_160 : vector<1x1x2048x64xf32> to vector<2048x64xf32>
    %dot_general3A_162 = arith.constant dense<0.000000e+00> : vector<2048x128xf32>
    %dot_general3A_163 = tpu.matmul %get3A_161, %get3A_155, %dot_general3A_162 {dimension_numbers = #tpu.dot_dimension_numbers<[1], [1], [0], [0], [0, 0, 1, 0], [], []>, transpose_lhs_hint = false} : vector<2048x64xf32>, vector<128x64xf32>, vector<2048x128xf32> -> vector<2048x128xf32>
    %jit3A_164 = arith.constant 0xFF800000 : f32
    %broadcast_in_dim3A_165 = vector.broadcast %jit3A_164 : f32 to vector<2048x128xf32>
    %select_n3A_166 = arith.select %gt3A_3, %dot_general3A_163, %broadcast_in_dim3A_165 : vector<2048x128xi1>, vector<2048x128xf32>
    %reduce_max3A_167 = arith.constant dense<0xFF800000> : vector<128xf32>
    %reduce_max3A_168 = vector.multi_reduction <maximumf>, %select_n3A_166, %reduce_max3A_167 [0] : vector<2048x128xf32> to vector<128xf32>
    %broadcast_in_dim3A_169 = vector.shape_cast %reduce_max3A_168 : vector<128xf32> to vector<1x128xf32>
    %mul3A_170 = arith.mulf %dot_general3A_163, %get3A_1 : vector<2048x128xf32>
    %reduce_sum3A_171 = arith.constant dense<0.000000e+00> : vector<128xf32>
    %reduce_sum3A_172 = vector.multi_reduction <add>, %mul3A_170, %reduce_sum3A_171 [0] : vector<2048x128xf32> to vector<128xf32>
    %broadcast_in_dim3A_173 = vector.shape_cast %reduce_sum3A_172 : vector<128xf32> to vector<1x128xf32>
    %mul3A_174 = arith.constant 3.125000e-02 : f32
    %mul3A_175 = vector.broadcast %mul3A_174 : f32 to vector<1x128xf32>
    %mul3A_176 = arith.mulf %broadcast_in_dim3A_173, %mul3A_175 : vector<1x128xf32>
    %sub3A_177 = arith.subf %broadcast_in_dim3A_169, %mul3A_176 : vector<1x128xf32>
    %swap3A_178 = arith.constant 5 : index
    %swap3A_179 = arith.constant 0 : index
    %swap3A_180 = vector.load %arg4[%swap3A_178, %swap3A_179] : memref<24x128xf32, #tpu.memory_space<vmem>>, vector<1x128xf32>
    tpu.vector_store %arg4[%swap3A_178, %swap3A_179], %sub3A_177 {strides = array<i32>} : memref<24x128xf32, #tpu.memory_space<vmem>>, vector<1x128xf32>,
    %get3A_181 = arith.constant 0 : index
    %get3A_182 = arith.constant 6 : index
    %get3A_183 = arith.constant 0 : index
    %get3A_184 = arith.constant 0 : index
    %get3A_185 = vector.load %arg1[%get3A_181, %get3A_182, %get3A_183, %get3A_184] : memref<2x12x128x64xf32, #tpu.memory_space<vmem>>, vector<1x1x128x64xf32>
    %get3A_186 = vector.shape_cast %get3A_185 : vector<1x1x128x64xf32> to vector<128x64xf32>
    %get3A_187 = arith.constant 0 : index
    %get3A_188 = arith.constant 6 : index
    %get3A_189 = arith.constant 0 : index
    %get3A_190 = arith.constant 0 : index
    %get3A_191 = vector.load %arg2[%get3A_187, %get3A_188, %get3A_189, %get3A_190] : memref<2x12x2048x64xf32, #tpu.memory_space<vmem>>, vector<1x1x2048x64xf32>
    %get3A_192 = vector.shape_cast %get3A_191 : vector<1x1x2048x64xf32> to vector<2048x64xf32>
    %dot_general3A_193 = arith.constant dense<0.000000e+00> : vector<2048x128xf32>
    %dot_general3A_194 = tpu.matmul %get3A_192, %get3A_186, %dot_general3A_193 {dimension_numbers = #tpu.dot_dimension_numbers<[1], [1], [0], [0], [0, 0, 1, 0], [], []>, transpose_lhs_hint = false} : vector<2048x64xf32>, vector<128x64xf32>, vector<2048x128xf32> -> vector<2048x128xf32>
    %jit3A_195 = arith.constant 0xFF800000 : f32
    %broadcast_in_dim3A_196 = vector.broadcast %jit3A_195 : f32 to vector<2048x128xf32>
    %select_n3A_197 = arith.select %gt3A_3, %dot_general3A_194, %broadcast_in_dim3A_196 : vector<2048x128xi1>, vector<2048x128xf32>
    %reduce_max3A_198 = arith.constant dense<0xFF800000> : vector<128xf32>
    %reduce_max3A_199 = vector.multi_reduction <maximumf>, %select_n3A_197, %reduce_max3A_198 [0] : vector<2048x128xf32> to vector<128xf32>
    %broadcast_in_dim3A_200 = vector.shape_cast %reduce_max3A_199 : vector<128xf32> to vector<1x128xf32>
    %mul3A_201 = arith.mulf %dot_general3A_194, %get3A_1 : vector<2048x128xf32>
    %reduce_sum3A_202 = arith.constant dense<0.000000e+00> : vector<128xf32>
    %reduce_sum3A_203 = vector.multi_reduction <add>, %mul3A_201, %reduce_sum3A_202 [0] : vector<2048x128xf32> to vector<128xf32>
    %broadcast_in_dim3A_204 = vector.shape_cast %reduce_sum3A_203 : vector<128xf32> to vector<1x128xf32>
    %mul3A_205 = arith.constant 3.125000e-02 : f32
    %mul3A_206 = vector.broadcast %mul3A_205 : f32 to vector<1x128xf32>
    %mul3A_207 = arith.mulf %broadcast_in_dim3A_204, %mul3A_206 : vector<1x128xf32>
    %sub3A_208 = arith.subf %broadcast_in_dim3A_200, %mul3A_207 : vector<1x128xf32>
    %swap3A_209 = arith.constant 6 : index
    %swap3A_210 = arith.constant 0 : index
    %swap3A_211 = vector.load %arg4[%swap3A_209, %swap3A_210] : memref<24x128xf32, #tpu.memory_space<vmem>>, vector<1x128xf32>
    tpu.vector_store %arg4[%swap3A_209, %swap3A_210], %sub3A_208 {strides = array<i32>} : memref<24x128xf32, #tpu.memory_space<vmem>>, vector<1x128xf32>,
    %get3A_212 = arith.constant 0 : index
    %get3A_213 = arith.constant 7 : index
    %get3A_214 = arith.constant 0 : index
    %get3A_215 = arith.constant 0 : index
    %get3A_216 = vector.load %arg1[%get3A_212, %get3A_213, %get3A_214, %get3A_215] : memref<2x12x128x64xf32, #tpu.memory_space<vmem>>, vector<1x1x128x64xf32>
    %get3A_217 = vector.shape_cast %get3A_216 : vector<1x1x128x64xf32> to vector<128x64xf32>
    %get3A_218 = arith.constant 0 : index
    %get3A_219 = arith.constant 7 : index
    %get3A_220 = arith.constant 0 : index
    %get3A_221 = arith.constant 0 : index
    %get3A_222 = vector.load %arg2[%get3A_218, %get3A_219, %get3A_220, %get3A_221] : memref<2x12x2048x64xf32, #tpu.memory_space<vmem>>, vector<1x1x2048x64xf32>
    %get3A_223 = vector.shape_cast %get3A_222 : vector<1x1x2048x64xf32> to vector<2048x64xf32>
    %dot_general3A_224 = arith.constant dense<0.000000e+00> : vector<2048x128xf32>
    %dot_general3A_225 = tpu.matmul %get3A_223, %get3A_217, %dot_general3A_224 {dimension_numbers = #tpu.dot_dimension_numbers<[1], [1], [0], [0], [0, 0, 1, 0], [], []>, transpose_lhs_hint = false} : vector<2048x64xf32>, vector<128x64xf32>, vector<2048x128xf32> -> vector<2048x128xf32>
    %jit3A_226 = arith.constant 0xFF800000 : f32
    %broadcast_in_dim3A_227 = vector.broadcast %jit3A_226 : f32 to vector<2048x128xf32>
    %select_n3A_228 = arith.select %gt3A_3, %dot_general3A_225, %broadcast_in_dim3A_227 : vector<2048x128xi1>, vector<2048x128xf32>
    %reduce_max3A_229 = arith.constant dense<0xFF800000> : vector<128xf32>
    %reduce_max3A_230 = vector.multi_reduction <maximumf>, %select_n3A_228, %reduce_max3A_229 [0] : vector<2048x128xf32> to vector<128xf32>
    %broadcast_in_dim3A_231 = vector.shape_cast %reduce_max3A_230 : vector<128xf32> to vector<1x128xf32>
    %mul3A_232 = arith.mulf %dot_general3A_225, %get3A_1 : vector<2048x128xf32>
    %reduce_sum3A_233 = arith.constant dense<0.000000e+00> : vector<128xf32>
    %reduce_sum3A_234 = vector.multi_reduction <add>, %mul3A_232, %reduce_sum3A_233 [0] : vector<2048x128xf32> to vector<128xf32>
    %broadcast_in_dim3A_235 = vector.shape_cast %reduce_sum3A_234 : vector<128xf32> to vector<1x128xf32>
    %mul3A_236 = arith.constant 3.125000e-02 : f32
    %mul3A_237 = vector.broadcast %mul3A_236 : f32 to vector<1x128xf32>
    %mul3A_238 = arith.mulf %broadcast_in_dim3A_235, %mul3A_237 : vector<1x128xf32>
    %sub3A_239 = arith.subf %broadcast_in_dim3A_231, %mul3A_238 : vector<1x128xf32>
    %swap3A_240 = arith.constant 7 : index
    %swap3A_241 = arith.constant 0 : index
    %swap3A_242 = vector.load %arg4[%swap3A_240, %swap3A_241] : memref<24x128xf32, #tpu.memory_space<vmem>>, vector<1x128xf32>
    tpu.vector_store %arg4[%swap3A_240, %swap3A_241], %sub3A_239 {strides = array<i32>} : memref<24x128xf32, #tpu.memory_space<vmem>>, vector<1x128xf32>,
    %get3A_243 = arith.constant 0 : index
    %get3A_244 = arith.constant 8 : index
    %get3A_245 = arith.constant 0 : index
    %get3A_246 = arith.constant 0 : index
    %get3A_247 = vector.load %arg1[%get3A_243, %get3A_244, %get3A_245, %get3A_246] : memref<2x12x128x64xf32, #tpu.memory_space<vmem>>, vector<1x1x128x64xf32>
    %get3A_248 = vector.shape_cast %get3A_247 : vector<1x1x128x64xf32> to vector<128x64xf32>
    %get3A_249 = arith.constant 0 : index
    %get3A_250 = arith.constant 8 : index
    %get3A_251 = arith.constant 0 : index
    %get3A_252 = arith.constant 0 : index
    %get3A_253 = vector.load %arg2[%get3A_249, %get3A_250, %get3A_251, %get3A_252] : memref<2x12x2048x64xf32, #tpu.memory_space<vmem>>, vector<1x1x2048x64xf32>
    %get3A_254 = vector.shape_cast %get3A_253 : vector<1x1x2048x64xf32> to vector<2048x64xf32>
    %dot_general3A_255 = arith.constant dense<0.000000e+00> : vector<2048x128xf32>
    %dot_general3A_256 = tpu.matmul %get3A_254, %get3A_248, %dot_general3A_255 {dimension_numbers = #tpu.dot_dimension_numbers<[1], [1], [0], [0], [0, 0, 1, 0], [], []>, transpose_lhs_hint = false} : vector<2048x64xf32>, vector<128x64xf32>, vector<2048x128xf32> -> vector<2048x128xf32>
    %jit3A_257 = arith.constant 0xFF800000 : f32
    %broadcast_in_dim3A_258 = vector.broadcast %jit3A_257 : f32 to vector<2048x128xf32>
    %select_n3A_259 = arith.select %gt3A_3, %dot_general3A_256, %broadcast_in_dim3A_258 : vector<2048x128xi1>, vector<2048x128xf32>
    %reduce_max3A_260 = arith.constant dense<0xFF800000> : vector<128xf32>
    %reduce_max3A_261 = vector.multi_reduction <maximumf>, %select_n3A_259, %reduce_max3A_260 [0] : vector<2048x128xf32> to vector<128xf32>
    %broadcast_in_dim3A_262 = vector.shape_cast %reduce_max3A_261 : vector<128xf32> to vector<1x128xf32>
    %mul3A_263 = arith.mulf %dot_general3A_256, %get3A_1 : vector<2048x128xf32>
    %reduce_sum3A_264 = arith.constant dense<0.000000e+00> : vector<128xf32>
    %reduce_sum3A_265 = vector.multi_reduction <add>, %mul3A_263, %reduce_sum3A_264 [0] : vector<2048x128xf32> to vector<128xf32>
    %broadcast_in_dim3A_266 = vector.shape_cast %reduce_sum3A_265 : vector<128xf32> to vector<1x128xf32>
    %mul3A_267 = arith.constant 3.125000e-02 : f32
    %mul3A_268 = vector.broadcast %mul3A_267 : f32 to vector<1x128xf32>
    %mul3A_269 = arith.mulf %broadcast_in_dim3A_266, %mul3A_268 : vector<1x128xf32>
    %sub3A_270 = arith.subf %broadcast_in_dim3A_262, %mul3A_269 : vector<1x128xf32>
    %swap3A_271 = arith.constant 8 : index
    %swap3A_272 = arith.constant 0 : index
    %swap3A_273 = vector.load %arg4[%swap3A_271, %swap3A_272] : memref<24x128xf32, #tpu.memory_space<vmem>>, vector<1x128xf32>
    tpu.vector_store %arg4[%swap3A_271, %swap3A_272], %sub3A_270 {strides = array<i32>} : memref<24x128xf32, #tpu.memory_space<vmem>>, vector<1x128xf32>,
    %get3A_274 = arith.constant 0 : index
    %get3A_275 = arith.constant 9 : index
    %get3A_276 = arith.constant 0 : index
    %get3A_277 = arith.constant 0 : index
    %get3A_278 = vector.load %arg1[%get3A_274, %get3A_275, %get3A_276, %get3A_277] : memref<2x12x128x64xf32, #tpu.memory_space<vmem>>, vector<1x1x128x64xf32>
    %get3A_279 = vector.shape_cast %get3A_278 : vector<1x1x128x64xf32> to vector<128x64xf32>
    %get3A_280 = arith.constant 0 : index
    %get3A_281 = arith.constant 9 : index
    %get3A_282 = arith.constant 0 : index
    %get3A_283 = arith.constant 0 : index
    %get3A_284 = vector.load %arg2[%get3A_280, %get3A_281, %get3A_282, %get3A_283] : memref<2x12x2048x64xf32, #tpu.memory_space<vmem>>, vector<1x1x2048x64xf32>
    %get3A_285 = vector.shape_cast %get3A_284 : vector<1x1x2048x64xf32> to vector<2048x64xf32>
    %dot_general3A_286 = arith.constant dense<0.000000e+00> : vector<2048x128xf32>
    %dot_general3A_287 = tpu.matmul %get3A_285, %get3A_279, %dot_general3A_286 {dimension_numbers = #tpu.dot_dimension_numbers<[1], [1], [0], [0], [0, 0, 1, 0], [], []>, transpose_lhs_hint = false} : vector<2048x64xf32>, vector<128x64xf32>, vector<2048x128xf32> -> vector<2048x128xf32>
    %jit3A_288 = arith.constant 0xFF800000 : f32
    %broadcast_in_dim3A_289 = vector.broadcast %jit3A_288 : f32 to vector<2048x128xf32>
    %select_n3A_290 = arith.select %gt3A_3, %dot_general3A_287, %broadcast_in_dim3A_289 : vector<2048x128xi1>, vector<2048x128xf32>
    %reduce_max3A_291 = arith.constant dense<0xFF800000> : vector<128xf32>
    %reduce_max3A_292 = vector.multi_reduction <maximumf>, %select_n3A_290, %reduce_max3A_291 [0] : vector<2048x128xf32> to vector<128xf32>
    %broadcast_in_dim3A_293 = vector.shape_cast %reduce_max3A_292 : vector<128xf32> to vector<1x128xf32>
    %mul3A_294 = arith.mulf %dot_general3A_287, %get3A_1 : vector<2048x128xf32>
    %reduce_sum3A_295 = arith.constant dense<0.000000e+00> : vector<128xf32>
    %reduce_sum3A_296 = vector.multi_reduction <add>, %mul3A_294, %reduce_sum3A_295 [0] : vector<2048x128xf32> to vector<128xf32>
    %broadcast_in_dim3A_297 = vector.shape_cast %reduce_sum3A_296 : vector<128xf32> to vector<1x128xf32>
    %mul3A_298 = arith.constant 3.125000e-02 : f32
    %mul3A_299 = vector.broadcast %mul3A_298 : f32 to vector<1x128xf32>
    %mul3A_300 = arith.mulf %broadcast_in_dim3A_297, %mul3A_299 : vector<1x128xf32>
    %sub3A_301 = arith.subf %broadcast_in_dim3A_293, %mul3A_300 : vector<1x128xf32>
    %swap3A_302 = arith.constant 9 : index
    %swap3A_303 = arith.constant 0 : index
    %swap3A_304 = vector.load %arg4[%swap3A_302, %swap3A_303] : memref<24x128xf32, #tpu.memory_space<vmem>>, vector<1x128xf32>
    tpu.vector_store %arg4[%swap3A_302, %swap3A_303], %sub3A_301 {strides = array<i32>} : memref<24x128xf32, #tpu.memory_space<vmem>>, vector<1x128xf32>,
    %get3A_305 = arith.constant 0 : index
    %get3A_306 = arith.constant 10 : index
    %get3A_307 = arith.constant 0 : index
    %get3A_308 = arith.constant 0 : index
    %get3A_309 = vector.load %arg1[%get3A_305, %get3A_306, %get3A_307, %get3A_308] : memref<2x12x128x64xf32, #tpu.memory_space<vmem>>, vector<1x1x128x64xf32>
    %get3A_310 = vector.shape_cast %get3A_309 : vector<1x1x128x64xf32> to vector<128x64xf32>
    %get3A_311 = arith.constant 0 : index
    %get3A_312 = arith.constant 10 : index
    %get3A_313 = arith.constant 0 : index
    %get3A_314 = arith.constant 0 : index
    %get3A_315 = vector.load %arg2[%get3A_311, %get3A_312, %get3A_313, %get3A_314] : memref<2x12x2048x64xf32, #tpu.memory_space<vmem>>, vector<1x1x2048x64xf32>
    %get3A_316 = vector.shape_cast %get3A_315 : vector<1x1x2048x64xf32> to vector<2048x64xf32>
    %dot_general3A_317 = arith.constant dense<0.000000e+00> : vector<2048x128xf32>
    %dot_general3A_318 = tpu.matmul %get3A_316, %get3A_310, %dot_general3A_317 {dimension_numbers = #tpu.dot_dimension_numbers<[1], [1], [0], [0], [0, 0, 1, 0], [], []>, transpose_lhs_hint = false} : vector<2048x64xf32>, vector<128x64xf32>, vector<2048x128xf32> -> vector<2048x128xf32>
    %jit3A_319 = arith.constant 0xFF800000 : f32
    %broadcast_in_dim3A_320 = vector.broadcast %jit3A_319 : f32 to vector<2048x128xf32>
    %select_n3A_321 = arith.select %gt3A_3, %dot_general3A_318, %broadcast_in_dim3A_320 : vector<2048x128xi1>, vector<2048x128xf32>
    %reduce_max3A_322 = arith.constant dense<0xFF800000> : vector<128xf32>
    %reduce_max3A_323 = vector.multi_reduction <maximumf>, %select_n3A_321, %reduce_max3A_322 [0] : vector<2048x128xf32> to vector<128xf32>
    %broadcast_in_dim3A_324 = vector.shape_cast %reduce_max3A_323 : vector<128xf32> to vector<1x128xf32>
    %mul3A_325 = arith.mulf %dot_general3A_318, %get3A_1 : vector<2048x128xf32>
    %reduce_sum3A_326 = arith.constant dense<0.000000e+00> : vector<128xf32>
    %reduce_sum3A_327 = vector.multi_reduction <add>, %mul3A_325, %reduce_sum3A_326 [0] : vector<2048x128xf32> to vector<128xf32>
    %broadcast_in_dim3A_328 = vector.shape_cast %reduce_sum3A_327 : vector<128xf32> to vector<1x128xf32>
    %mul3A_329 = arith.constant 3.125000e-02 : f32
    %mul3A_330 = vector.broadcast %mul3A_329 : f32 to vector<1x128xf32>
    %mul3A_331 = arith.mulf %broadcast_in_dim3A_328, %mul3A_330 : vector<1x128xf32>
    %sub3A_332 = arith.subf %broadcast_in_dim3A_324, %mul3A_331 : vector<1x128xf32>
    %swap3A_333 = arith.constant 10 : index
    %swap3A_334 = arith.constant 0 : index
    %swap3A_335 = vector.load %arg4[%swap3A_333, %swap3A_334] : memref<24x128xf32, #tpu.memory_space<vmem>>, vector<1x128xf32>
    tpu.vector_store %arg4[%swap3A_333, %swap3A_334], %sub3A_332 {strides = array<i32>} : memref<24x128xf32, #tpu.memory_space<vmem>>, vector<1x128xf32>,
    %get3A_336 = arith.constant 0 : index
    %get3A_337 = arith.constant 11 : index
    %get3A_338 = arith.constant 0 : index
    %get3A_339 = arith.constant 0 : index
    %get3A_340 = vector.load %arg1[%get3A_336, %get3A_337, %get3A_338, %get3A_339] : memref<2x12x128x64xf32, #tpu.memory_space<vmem>>, vector<1x1x128x64xf32>
    %get3A_341 = vector.shape_cast %get3A_340 : vector<1x1x128x64xf32> to vector<128x64xf32>
    %get3A_342 = arith.constant 0 : index
    %get3A_343 = arith.constant 11 : index
    %get3A_344 = arith.constant 0 : index
    %get3A_345 = arith.constant 0 : index
    %get3A_346 = vector.load %arg2[%get3A_342, %get3A_343, %get3A_344, %get3A_345] : memref<2x12x2048x64xf32, #tpu.memory_space<vmem>>, vector<1x1x2048x64xf32>
    %get3A_347 = vector.shape_cast %get3A_346 : vector<1x1x2048x64xf32> to vector<2048x64xf32>
    %dot_general3A_348 = arith.constant dense<0.000000e+00> : vector<2048x128xf32>
    %dot_general3A_349 = tpu.matmul %get3A_347, %get3A_341, %dot_general3A_348 {dimension_numbers = #tpu.dot_dimension_numbers<[1], [1], [0], [0], [0, 0, 1, 0], [], []>, transpose_lhs_hint = false} : vector<2048x64xf32>, vector<128x64xf32>, vector<2048x128xf32> -> vector<2048x128xf32>
    %jit3A_350 = arith.constant 0xFF800000 : f32
    %broadcast_in_dim3A_351 = vector.broadcast %jit3A_350 : f32 to vector<2048x128xf32>
    %select_n3A_352 = arith.select %gt3A_3, %dot_general3A_349, %broadcast_in_dim3A_351 : vector<2048x128xi1>, vector<2048x128xf32>
    %reduce_max3A_353 = arith.constant dense<0xFF800000> : vector<128xf32>
    %reduce_max3A_354 = vector.multi_reduction <maximumf>, %select_n3A_352, %reduce_max3A_353 [0] : vector<2048x128xf32> to vector<128xf32>
    %broadcast_in_dim3A_355 = vector.shape_cast %reduce_max3A_354 : vector<128xf32> to vector<1x128xf32>
    %mul3A_356 = arith.mulf %dot_general3A_349, %get3A_1 : vector<2048x128xf32>
    %reduce_sum3A_357 = arith.constant dense<0.000000e+00> : vector<128xf32>
    %reduce_sum3A_358 = vector.multi_reduction <add>, %mul3A_356, %reduce_sum3A_357 [0] : vector<2048x128xf32> to vector<128xf32>
    %broadcast_in_dim3A_359 = vector.shape_cast %reduce_sum3A_358 : vector<128xf32> to vector<1x128xf32>
    %mul3A_360 = arith.constant 3.125000e-02 : f32
    %mul3A_361 = vector.broadcast %mul3A_360 : f32 to vector<1x128xf32>
    %mul3A_362 = arith.mulf %broadcast_in_dim3A_359, %mul3A_361 : vector<1x128xf32>
    %sub3A_363 = arith.subf %broadcast_in_dim3A_355, %mul3A_362 : vector<1x128xf32>
    %swap3A_364 = arith.constant 11 : index
    %swap3A_365 = arith.constant 0 : index
    %swap3A_366 = vector.load %arg4[%swap3A_364, %swap3A_365] : memref<24x128xf32, #tpu.memory_space<vmem>>, vector<1x128xf32>
    tpu.vector_store %arg4[%swap3A_364, %swap3A_365], %sub3A_363 {strides = array<i32>} : memref<24x128xf32, #tpu.memory_space<vmem>>, vector<1x128xf32>,
    %get3A_367 = arith.constant 1 : index
    %get3A_368 = arith.constant 0 : index
    %get3A_369 = arith.constant 0 : index
    %get3A_370 = arith.constant 0 : index
    %get3A_371 = vector.load %arg1[%get3A_367, %get3A_368, %get3A_369, %get3A_370] : memref<2x12x128x64xf32, #tpu.memory_space<vmem>>, vector<1x1x128x64xf32>
    %get3A_372 = vector.shape_cast %get3A_371 : vector<1x1x128x64xf32> to vector<128x64xf32>
    %get3A_373 = arith.constant 1 : index
    %get3A_374 = arith.constant 0 : index
    %get3A_375 = arith.constant 0 : index
    %get3A_376 = arith.constant 0 : index
    %get3A_377 = vector.load %arg2[%get3A_373, %get3A_374, %get3A_375, %get3A_376] : memref<2x12x2048x64xf32, #tpu.memory_space<vmem>>, vector<1x1x2048x64xf32>
    %get3A_378 = vector.shape_cast %get3A_377 : vector<1x1x2048x64xf32> to vector<2048x64xf32>
    %dot_general3A_379 = arith.constant dense<0.000000e+00> : vector<2048x128xf32>
    %dot_general3A_380 = tpu.matmul %get3A_378, %get3A_372, %dot_general3A_379 {dimension_numbers = #tpu.dot_dimension_numbers<[1], [1], [0], [0], [0, 0, 1, 0], [], []>, transpose_lhs_hint = false} : vector<2048x64xf32>, vector<128x64xf32>, vector<2048x128xf32> -> vector<2048x128xf32>
    %jit3A_381 = arith.constant 0xFF800000 : f32
    %broadcast_in_dim3A_382 = vector.broadcast %jit3A_381 : f32 to vector<2048x128xf32>
    %select_n3A_383 = arith.select %gt3A_3, %dot_general3A_380, %broadcast_in_dim3A_382 : vector<2048x128xi1>, vector<2048x128xf32>
    %reduce_max3A_384 = arith.constant dense<0xFF800000> : vector<128xf32>
    %reduce_max3A_385 = vector.multi_reduction <maximumf>, %select_n3A_383, %reduce_max3A_384 [0] : vector<2048x128xf32> to vector<128xf32>
    %broadcast_in_dim3A_386 = vector.shape_cast %reduce_max3A_385 : vector<128xf32> to vector<1x128xf32>
    %mul3A_387 = arith.mulf %dot_general3A_380, %get3A_1 : vector<2048x128xf32>
    %reduce_sum3A_388 = arith.constant dense<0.000000e+00> : vector<128xf32>
    %reduce_sum3A_389 = vector.multi_reduction <add>, %mul3A_387, %reduce_sum3A_388 [0] : vector<2048x128xf32> to vector<128xf32>
    %broadcast_in_dim3A_390 = vector.shape_cast %reduce_sum3A_389 : vector<128xf32> to vector<1x128xf32>
    %mul3A_391 = arith.constant 3.125000e-02 : f32
    %mul3A_392 = vector.broadcast %mul3A_391 : f32 to vector<1x128xf32>
    %mul3A_393 = arith.mulf %broadcast_in_dim3A_390, %mul3A_392 : vector<1x128xf32>
    %sub3A_394 = arith.subf %broadcast_in_dim3A_386, %mul3A_393 : vector<1x128xf32>
    %swap3A_395 = arith.constant 12 : index
    %swap3A_396 = arith.constant 0 : index
    %swap3A_397 = vector.load %arg4[%swap3A_395, %swap3A_396] : memref<24x128xf32, #tpu.memory_space<vmem>>, vector<1x128xf32>
    tpu.vector_store %arg4[%swap3A_395, %swap3A_396], %sub3A_394 {strides = array<i32>} : memref<24x128xf32, #tpu.memory_space<vmem>>, vector<1x128xf32>,
    %get3A_398 = arith.constant 1 : index
    %get3A_399 = arith.constant 1 : index
    %get3A_400 = arith.constant 0 : index
    %get3A_401 = arith.constant 0 : index
    %get3A_402 = vector.load %arg1[%get3A_398, %get3A_399, %get3A_400, %get3A_401] : memref<2x12x128x64xf32, #tpu.memory_space<vmem>>, vector<1x1x128x64xf32>
    %get3A_403 = vector.shape_cast %get3A_402 : vector<1x1x128x64xf32> to vector<128x64xf32>
    %get3A_404 = arith.constant 1 : index
    %get3A_405 = arith.constant 1 : index
    %get3A_406 = arith.constant 0 : index
    %get3A_407 = arith.constant 0 : index
    %get3A_408 = vector.load %arg2[%get3A_404, %get3A_405, %get3A_406, %get3A_407] : memref<2x12x2048x64xf32, #tpu.memory_space<vmem>>, vector<1x1x2048x64xf32>
    %get3A_409 = vector.shape_cast %get3A_408 : vector<1x1x2048x64xf32> to vector<2048x64xf32>
    %dot_general3A_410 = arith.constant dense<0.000000e+00> : vector<2048x128xf32>
    %dot_general3A_411 = tpu.matmul %get3A_409, %get3A_403, %dot_general3A_410 {dimension_numbers = #tpu.dot_dimension_numbers<[1], [1], [0], [0], [0, 0, 1, 0], [], []>, transpose_lhs_hint = false} : vector<2048x64xf32>, vector<128x64xf32>, vector<2048x128xf32> -> vector<2048x128xf32>
    %jit3A_412 = arith.constant 0xFF800000 : f32
    %broadcast_in_dim3A_413 = vector.broadcast %jit3A_412 : f32 to vector<2048x128xf32>
    %select_n3A_414 = arith.select %gt3A_3, %dot_general3A_411, %broadcast_in_dim3A_413 : vector<2048x128xi1>, vector<2048x128xf32>
    %reduce_max3A_415 = arith.constant dense<0xFF800000> : vector<128xf32>
    %reduce_max3A_416 = vector.multi_reduction <maximumf>, %select_n3A_414, %reduce_max3A_415 [0] : vector<2048x128xf32> to vector<128xf32>
    %broadcast_in_dim3A_417 = vector.shape_cast %reduce_max3A_416 : vector<128xf32> to vector<1x128xf32>
    %mul3A_418 = arith.mulf %dot_general3A_411, %get3A_1 : vector<2048x128xf32>
    %reduce_sum3A_419 = arith.constant dense<0.000000e+00> : vector<128xf32>
    %reduce_sum3A_420 = vector.multi_reduction <add>, %mul3A_418, %reduce_sum3A_419 [0] : vector<2048x128xf32> to vector<128xf32>
    %broadcast_in_dim3A_421 = vector.shape_cast %reduce_sum3A_420 : vector<128xf32> to vector<1x128xf32>
    %mul3A_422 = arith.constant 3.125000e-02 : f32
    %mul3A_423 = vector.broadcast %mul3A_422 : f32 to vector<1x128xf32>
    %mul3A_424 = arith.mulf %broadcast_in_dim3A_421, %mul3A_423 : vector<1x128xf32>
    %sub3A_425 = arith.subf %broadcast_in_dim3A_417, %mul3A_424 : vector<1x128xf32>
    %swap3A_426 = arith.constant 13 : index
    %swap3A_427 = arith.constant 0 : index
    %swap3A_428 = vector.load %arg4[%swap3A_426, %swap3A_427] : memref<24x128xf32, #tpu.memory_space<vmem>>, vector<1x128xf32>
    tpu.vector_store %arg4[%swap3A_426, %swap3A_427], %sub3A_425 {strides = array<i32>} : memref<24x128xf32, #tpu.memory_space<vmem>>, vector<1x128xf32>,
    %get3A_429 = arith.constant 1 : index
    %get3A_430 = arith.constant 2 : index
    %get3A_431 = arith.constant 0 : index
    %get3A_432 = arith.constant 0 : index
    %get3A_433 = vector.load %arg1[%get3A_429, %get3A_430, %get3A_431, %get3A_432] : memref<2x12x128x64xf32, #tpu.memory_space<vmem>>, vector<1x1x128x64xf32>
    %get3A_434 = vector.shape_cast %get3A_433 : vector<1x1x128x64xf32> to vector<128x64xf32>
    %get3A_435 = arith.constant 1 : index
    %get3A_436 = arith.constant 2 : index
    %get3A_437 = arith.constant 0 : index
    %get3A_438 = arith.constant 0 : index
    %get3A_439 = vector.load %arg2[%get3A_435, %get3A_436, %get3A_437, %get3A_438] : memref<2x12x2048x64xf32, #tpu.memory_space<vmem>>, vector<1x1x2048x64xf32>
    %get3A_440 = vector.shape_cast %get3A_439 : vector<1x1x2048x64xf32> to vector<2048x64xf32>
    %dot_general3A_441 = arith.constant dense<0.000000e+00> : vector<2048x128xf32>
    %dot_general3A_442 = tpu.matmul %get3A_440, %get3A_434, %dot_general3A_441 {dimension_numbers = #tpu.dot_dimension_numbers<[1], [1], [0], [0], [0, 0, 1, 0], [], []>, transpose_lhs_hint = false} : vector<2048x64xf32>, vector<128x64xf32>, vector<2048x128xf32> -> vector<2048x128xf32>
    %jit3A_443 = arith.constant 0xFF800000 : f32
    %broadcast_in_dim3A_444 = vector.broadcast %jit3A_443 : f32 to vector<2048x128xf32>
    %select_n3A_445 = arith.select %gt3A_3, %dot_general3A_442, %broadcast_in_dim3A_444 : vector<2048x128xi1>, vector<2048x128xf32>
    %reduce_max3A_446 = arith.constant dense<0xFF800000> : vector<128xf32>
    %reduce_max3A_447 = vector.multi_reduction <maximumf>, %select_n3A_445, %reduce_max3A_446 [0] : vector<2048x128xf32> to vector<128xf32>
    %broadcast_in_dim3A_448 = vector.shape_cast %reduce_max3A_447 : vector<128xf32> to vector<1x128xf32>
    %mul3A_449 = arith.mulf %dot_general3A_442, %get3A_1 : vector<2048x128xf32>
    %reduce_sum3A_450 = arith.constant dense<0.000000e+00> : vector<128xf32>
    %reduce_sum3A_451 = vector.multi_reduction <add>, %mul3A_449, %reduce_sum3A_450 [0] : vector<2048x128xf32> to vector<128xf32>
    %broadcast_in_dim3A_452 = vector.shape_cast %reduce_sum3A_451 : vector<128xf32> to vector<1x128xf32>
    %mul3A_453 = arith.constant 3.125000e-02 : f32
    %mul3A_454 = vector.broadcast %mul3A_453 : f32 to vector<1x128xf32>
    %mul3A_455 = arith.mulf %broadcast_in_dim3A_452, %mul3A_454 : vector<1x128xf32>
    %sub3A_456 = arith.subf %broadcast_in_dim3A_448, %mul3A_455 : vector<1x128xf32>
    %swap3A_457 = arith.constant 14 : index
    %swap3A_458 = arith.constant 0 : index
    %swap3A_459 = vector.load %arg4[%swap3A_457, %swap3A_458] : memref<24x128xf32, #tpu.memory_space<vmem>>, vector<1x128xf32>
    tpu.vector_store %arg4[%swap3A_457, %swap3A_458], %sub3A_456 {strides = array<i32>} : memref<24x128xf32, #tpu.memory_space<vmem>>, vector<1x128xf32>,
    %get3A_460 = arith.constant 1 : index
    %get3A_461 = arith.constant 3 : index
    %get3A_462 = arith.constant 0 : index
    %get3A_463 = arith.constant 0 : index
    %get3A_464 = vector.load %arg1[%get3A_460, %get3A_461, %get3A_462, %get3A_463] : memref<2x12x128x64xf32, #tpu.memory_space<vmem>>, vector<1x1x128x64xf32>
    %get3A_465 = vector.shape_cast %get3A_464 : vector<1x1x128x64xf32> to vector<128x64xf32>
    %get3A_466 = arith.constant 1 : index
    %get3A_467 = arith.constant 3 : index
    %get3A_468 = arith.constant 0 : index
    %get3A_469 = arith.constant 0 : index
    %get3A_470 = vector.load %arg2[%get3A_466, %get3A_467, %get3A_468, %get3A_469] : memref<2x12x2048x64xf32, #tpu.memory_space<vmem>>, vector<1x1x2048x64xf32>
    %get3A_471 = vector.shape_cast %get3A_470 : vector<1x1x2048x64xf32> to vector<2048x64xf32>
    %dot_general3A_472 = arith.constant dense<0.000000e+00> : vector<2048x128xf32>
    %dot_general3A_473 = tpu.matmul %get3A_471, %get3A_465, %dot_general3A_472 {dimension_numbers = #tpu.dot_dimension_numbers<[1], [1], [0], [0], [0, 0, 1, 0], [], []>, transpose_lhs_hint = false} : vector<2048x64xf32>, vector<128x64xf32>, vector<2048x128xf32> -> vector<2048x128xf32>
    %jit3A_474 = arith.constant 0xFF800000 : f32
    %broadcast_in_dim3A_475 = vector.broadcast %jit3A_474 : f32 to vector<2048x128xf32>
    %select_n3A_476 = arith.select %gt3A_3, %dot_general3A_473, %broadcast_in_dim3A_475 : vector<2048x128xi1>, vector<2048x128xf32>
    %reduce_max3A_477 = arith.constant dense<0xFF800000> : vector<128xf32>
    %reduce_max3A_478 = vector.multi_reduction <maximumf>, %select_n3A_476, %reduce_max3A_477 [0] : vector<2048x128xf32> to vector<128xf32>
    %broadcast_in_dim3A_479 = vector.shape_cast %reduce_max3A_478 : vector<128xf32> to vector<1x128xf32>
    %mul3A_480 = arith.mulf %dot_general3A_473, %get3A_1 : vector<2048x128xf32>
    %reduce_sum3A_481 = arith.constant dense<0.000000e+00> : vector<128xf32>
    %reduce_sum3A_482 = vector.multi_reduction <add>, %mul3A_480, %reduce_sum3A_481 [0] : vector<2048x128xf32> to vector<128xf32>
    %broadcast_in_dim3A_483 = vector.shape_cast %reduce_sum3A_482 : vector<128xf32> to vector<1x128xf32>
    %mul3A_484 = arith.constant 3.125000e-02 : f32
    %mul3A_485 = vector.broadcast %mul3A_484 : f32 to vector<1x128xf32>
    %mul3A_486 = arith.mulf %broadcast_in_dim3A_483, %mul3A_485 : vector<1x128xf32>
    %sub3A_487 = arith.subf %broadcast_in_dim3A_479, %mul3A_486 : vector<1x128xf32>
    %swap3A_488 = arith.constant 15 : index
    %swap3A_489 = arith.constant 0 : index
    %swap3A_490 = vector.load %arg4[%swap3A_488, %swap3A_489] : memref<24x128xf32, #tpu.memory_space<vmem>>, vector<1x128xf32>
    tpu.vector_store %arg4[%swap3A_488, %swap3A_489], %sub3A_487 {strides = array<i32>} : memref<24x128xf32, #tpu.memory_space<vmem>>, vector<1x128xf32>,
    %get3A_491 = arith.constant 1 : index
    %get3A_492 = arith.constant 4 : index
    %get3A_493 = arith.constant 0 : index
    %get3A_494 = arith.constant 0 : index
    %get3A_495 = vector.load %arg1[%get3A_491, %get3A_492, %get3A_493, %get3A_494] : memref<2x12x128x64xf32, #tpu.memory_space<vmem>>, vector<1x1x128x64xf32>
    %get3A_496 = vector.shape_cast %get3A_495 : vector<1x1x128x64xf32> to vector<128x64xf32>
    %get3A_497 = arith.constant 1 : index
    %get3A_498 = arith.constant 4 : index
    %get3A_499 = arith.constant 0 : index
    %get3A_500 = arith.constant 0 : index
    %get3A_501 = vector.load %arg2[%get3A_497, %get3A_498, %get3A_499, %get3A_500] : memref<2x12x2048x64xf32, #tpu.memory_space<vmem>>, vector<1x1x2048x64xf32>
    %get3A_502 = vector.shape_cast %get3A_501 : vector<1x1x2048x64xf32> to vector<2048x64xf32>
    %dot_general3A_503 = arith.constant dense<0.000000e+00> : vector<2048x128xf32>
    %dot_general3A_504 = tpu.matmul %get3A_502, %get3A_496, %dot_general3A_503 {dimension_numbers = #tpu.dot_dimension_numbers<[1], [1], [0], [0], [0, 0, 1, 0], [], []>, transpose_lhs_hint = false} : vector<2048x64xf32>, vector<128x64xf32>, vector<2048x128xf32> -> vector<2048x128xf32>
    %jit3A_505 = arith.constant 0xFF800000 : f32
    %broadcast_in_dim3A_506 = vector.broadcast %jit3A_505 : f32 to vector<2048x128xf32>
    %select_n3A_507 = arith.select %gt3A_3, %dot_general3A_504, %broadcast_in_dim3A_506 : vector<2048x128xi1>, vector<2048x128xf32>
    %reduce_max3A_508 = arith.constant dense<0xFF800000> : vector<128xf32>
    %reduce_max3A_509 = vector.multi_reduction <maximumf>, %select_n3A_507, %reduce_max3A_508 [0] : vector<2048x128xf32> to vector<128xf32>
    %broadcast_in_dim3A_510 = vector.shape_cast %reduce_max3A_509 : vector<128xf32> to vector<1x128xf32>
    %mul3A_511 = arith.mulf %dot_general3A_504, %get3A_1 : vector<2048x128xf32>
    %reduce_sum3A_512 = arith.constant dense<0.000000e+00> : vector<128xf32>
    %reduce_sum3A_513 = vector.multi_reduction <add>, %mul3A_511, %reduce_sum3A_512 [0] : vector<2048x128xf32> to vector<128xf32>
    %broadcast_in_dim3A_514 = vector.shape_cast %reduce_sum3A_513 : vector<128xf32> to vector<1x128xf32>
    %mul3A_515 = arith.constant 3.125000e-02 : f32
    %mul3A_516 = vector.broadcast %mul3A_515 : f32 to vector<1x128xf32>
    %mul3A_517 = arith.mulf %broadcast_in_dim3A_514, %mul3A_516 : vector<1x128xf32>
    %sub3A_518 = arith.subf %broadcast_in_dim3A_510, %mul3A_517 : vector<1x128xf32>
    %swap3A_519 = arith.constant 16 : index
    %swap3A_520 = arith.constant 0 : index
    %swap3A_521 = vector.load %arg4[%swap3A_519, %swap3A_520] : memref<24x128xf32, #tpu.memory_space<vmem>>, vector<1x128xf32>
    tpu.vector_store %arg4[%swap3A_519, %swap3A_520], %sub3A_518 {strides = array<i32>} : memref<24x128xf32, #tpu.memory_space<vmem>>, vector<1x128xf32>,
    %get3A_522 = arith.constant 1 : index
    %get3A_523 = arith.constant 5 : index
    %get3A_524 = arith.constant 0 : index
    %get3A_525 = arith.constant 0 : index
    %get3A_526 = vector.load %arg1[%get3A_522, %get3A_523, %get3A_524, %get3A_525] : memref<2x12x128x64xf32, #tpu.memory_space<vmem>>, vector<1x1x128x64xf32>
    %get3A_527 = vector.shape_cast %get3A_526 : vector<1x1x128x64xf32> to vector<128x64xf32>
    %get3A_528 = arith.constant 1 : index
    %get3A_529 = arith.constant 5 : index
    %get3A_530 = arith.constant 0 : index
    %get3A_531 = arith.constant 0 : index
    %get3A_532 = vector.load %arg2[%get3A_528, %get3A_529, %get3A_530, %get3A_531] : memref<2x12x2048x64xf32, #tpu.memory_space<vmem>>, vector<1x1x2048x64xf32>
    %get3A_533 = vector.shape_cast %get3A_532 : vector<1x1x2048x64xf32> to vector<2048x64xf32>
    %dot_general3A_534 = arith.constant dense<0.000000e+00> : vector<2048x128xf32>
    %dot_general3A_535 = tpu.matmul %get3A_533, %get3A_527, %dot_general3A_534 {dimension_numbers = #tpu.dot_dimension_numbers<[1], [1], [0], [0], [0, 0, 1, 0], [], []>, transpose_lhs_hint = false} : vector<2048x64xf32>, vector<128x64xf32>, vector<2048x128xf32> -> vector<2048x128xf32>
    %jit3A_536 = arith.constant 0xFF800000 : f32
    %broadcast_in_dim3A_537 = vector.broadcast %jit3A_536 : f32 to vector<2048x128xf32>
    %select_n3A_538 = arith.select %gt3A_3, %dot_general3A_535, %broadcast_in_dim3A_537 : vector<2048x128xi1>, vector<2048x128xf32>
    %reduce_max3A_539 = arith.constant dense<0xFF800000> : vector<128xf32>
    %reduce_max3A_540 = vector.multi_reduction <maximumf>, %select_n3A_538, %reduce_max3A_539 [0] : vector<2048x128xf32> to vector<128xf32>
    %broadcast_in_dim3A_541 = vector.shape_cast %reduce_max3A_540 : vector<128xf32> to vector<1x128xf32>
    %mul3A_542 = arith.mulf %dot_general3A_535, %get3A_1 : vector<2048x128xf32>
    %reduce_sum3A_543 = arith.constant dense<0.000000e+00> : vector<128xf32>
    %reduce_sum3A_544 = vector.multi_reduction <add>, %mul3A_542, %reduce_sum3A_543 [0] : vector<2048x128xf32> to vector<128xf32>
    %broadcast_in_dim3A_545 = vector.shape_cast %reduce_sum3A_544 : vector<128xf32> to vector<1x128xf32>
    %mul3A_546 = arith.constant 3.125000e-02 : f32
    %mul3A_547 = vector.broadcast %mul3A_546 : f32 to vector<1x128xf32>
    %mul3A_548 = arith.mulf %broadcast_in_dim3A_545, %mul3A_547 : vector<1x128xf32>
    %sub3A_549 = arith.subf %broadcast_in_dim3A_541, %mul3A_548 : vector<1x128xf32>
    %swap3A_550 = arith.constant 17 : index
    %swap3A_551 = arith.constant 0 : index
    %swap3A_552 = vector.load %arg4[%swap3A_550, %swap3A_551] : memref<24x128xf32, #tpu.memory_space<vmem>>, vector<1x128xf32>
    tpu.vector_store %arg4[%swap3A_550, %swap3A_551], %sub3A_549 {strides = array<i32>} : memref<24x128xf32, #tpu.memory_space<vmem>>, vector<1x128xf32>,
    %get3A_553 = arith.constant 1 : index
    %get3A_554 = arith.constant 6 : index
    %get3A_555 = arith.constant 0 : index
    %get3A_556 = arith.constant 0 : index
    %get3A_557 = vector.load %arg1[%get3A_553, %get3A_554, %get3A_555, %get3A_556] : memref<2x12x128x64xf32, #tpu.memory_space<vmem>>, vector<1x1x128x64xf32>
    %get3A_558 = vector.shape_cast %get3A_557 : vector<1x1x128x64xf32> to vector<128x64xf32>
    %get3A_559 = arith.constant 1 : index
    %get3A_560 = arith.constant 6 : index
    %get3A_561 = arith.constant 0 : index
    %get3A_562 = arith.constant 0 : index
    %get3A_563 = vector.load %arg2[%get3A_559, %get3A_560, %get3A_561, %get3A_562] : memref<2x12x2048x64xf32, #tpu.memory_space<vmem>>, vector<1x1x2048x64xf32>
    %get3A_564 = vector.shape_cast %get3A_563 : vector<1x1x2048x64xf32> to vector<2048x64xf32>
    %dot_general3A_565 = arith.constant dense<0.000000e+00> : vector<2048x128xf32>
    %dot_general3A_566 = tpu.matmul %get3A_564, %get3A_558, %dot_general3A_565 {dimension_numbers = #tpu.dot_dimension_numbers<[1], [1], [0], [0], [0, 0, 1, 0], [], []>, transpose_lhs_hint = false} : vector<2048x64xf32>, vector<128x64xf32>, vector<2048x128xf32> -> vector<2048x128xf32>
    %jit3A_567 = arith.constant 0xFF800000 : f32
    %broadcast_in_dim3A_568 = vector.broadcast %jit3A_567 : f32 to vector<2048x128xf32>
    %select_n3A_569 = arith.select %gt3A_3, %dot_general3A_566, %broadcast_in_dim3A_568 : vector<2048x128xi1>, vector<2048x128xf32>
    %reduce_max3A_570 = arith.constant dense<0xFF800000> : vector<128xf32>
    %reduce_max3A_571 = vector.multi_reduction <maximumf>, %select_n3A_569, %reduce_max3A_570 [0] : vector<2048x128xf32> to vector<128xf32>
    %broadcast_in_dim3A_572 = vector.shape_cast %reduce_max3A_571 : vector<128xf32> to vector<1x128xf32>
    %mul3A_573 = arith.mulf %dot_general3A_566, %get3A_1 : vector<2048x128xf32>
    %reduce_sum3A_574 = arith.constant dense<0.000000e+00> : vector<128xf32>
    %reduce_sum3A_575 = vector.multi_reduction <add>, %mul3A_573, %reduce_sum3A_574 [0] : vector<2048x128xf32> to vector<128xf32>
    %broadcast_in_dim3A_576 = vector.shape_cast %reduce_sum3A_575 : vector<128xf32> to vector<1x128xf32>
    %mul3A_577 = arith.constant 3.125000e-02 : f32
    %mul3A_578 = vector.broadcast %mul3A_577 : f32 to vector<1x128xf32>
    %mul3A_579 = arith.mulf %broadcast_in_dim3A_576, %mul3A_578 : vector<1x128xf32>
    %sub3A_580 = arith.subf %broadcast_in_dim3A_572, %mul3A_579 : vector<1x128xf32>
    %swap3A_581 = arith.constant 18 : index
    %swap3A_582 = arith.constant 0 : index
    %swap3A_583 = vector.load %arg4[%swap3A_581, %swap3A_582] : memref<24x128xf32, #tpu.memory_space<vmem>>, vector<1x128xf32>
    tpu.vector_store %arg4[%swap3A_581, %swap3A_582], %sub3A_580 {strides = array<i32>} : memref<24x128xf32, #tpu.memory_space<vmem>>, vector<1x128xf32>,
    %get3A_584 = arith.constant 1 : index
    %get3A_585 = arith.constant 7 : index
    %get3A_586 = arith.constant 0 : index
    %get3A_587 = arith.constant 0 : index
    %get3A_588 = vector.load %arg1[%get3A_584, %get3A_585, %get3A_586, %get3A_587] : memref<2x12x128x64xf32, #tpu.memory_space<vmem>>, vector<1x1x128x64xf32>
    %get3A_589 = vector.shape_cast %get3A_588 : vector<1x1x128x64xf32> to vector<128x64xf32>
    %get3A_590 = arith.constant 1 : index
    %get3A_591 = arith.constant 7 : index
    %get3A_592 = arith.constant 0 : index
    %get3A_593 = arith.constant 0 : index
    %get3A_594 = vector.load %arg2[%get3A_590, %get3A_591, %get3A_592, %get3A_593] : memref<2x12x2048x64xf32, #tpu.memory_space<vmem>>, vector<1x1x2048x64xf32>
    %get3A_595 = vector.shape_cast %get3A_594 : vector<1x1x2048x64xf32> to vector<2048x64xf32>
    %dot_general3A_596 = arith.constant dense<0.000000e+00> : vector<2048x128xf32>
    %dot_general3A_597 = tpu.matmul %get3A_595, %get3A_589, %dot_general3A_596 {dimension_numbers = #tpu.dot_dimension_numbers<[1], [1], [0], [0], [0, 0, 1, 0], [], []>, transpose_lhs_hint = false} : vector<2048x64xf32>, vector<128x64xf32>, vector<2048x128xf32> -> vector<2048x128xf32>
    %jit3A_598 = arith.constant 0xFF800000 : f32
    %broadcast_in_dim3A_599 = vector.broadcast %jit3A_598 : f32 to vector<2048x128xf32>
    %select_n3A_600 = arith.select %gt3A_3, %dot_general3A_597, %broadcast_in_dim3A_599 : vector<2048x128xi1>, vector<2048x128xf32>
    %reduce_max3A_601 = arith.constant dense<0xFF800000> : vector<128xf32>
    %reduce_max3A_602 = vector.multi_reduction <maximumf>, %select_n3A_600, %reduce_max3A_601 [0] : vector<2048x128xf32> to vector<128xf32>
    %broadcast_in_dim3A_603 = vector.shape_cast %reduce_max3A_602 : vector<128xf32> to vector<1x128xf32>
    %mul3A_604 = arith.mulf %dot_general3A_597, %get3A_1 : vector<2048x128xf32>
    %reduce_sum3A_605 = arith.constant dense<0.000000e+00> : vector<128xf32>
    %reduce_sum3A_606 = vector.multi_reduction <add>, %mul3A_604, %reduce_sum3A_605 [0] : vector<2048x128xf32> to vector<128xf32>
    %broadcast_in_dim3A_607 = vector.shape_cast %reduce_sum3A_606 : vector<128xf32> to vector<1x128xf32>
    %mul3A_608 = arith.constant 3.125000e-02 : f32
    %mul3A_609 = vector.broadcast %mul3A_608 : f32 to vector<1x128xf32>
    %mul3A_610 = arith.mulf %broadcast_in_dim3A_607, %mul3A_609 : vector<1x128xf32>
    %sub3A_611 = arith.subf %broadcast_in_dim3A_603, %mul3A_610 : vector<1x128xf32>
    %swap3A_612 = arith.constant 19 : index
    %swap3A_613 = arith.constant 0 : index
    %swap3A_614 = vector.load %arg4[%swap3A_612, %swap3A_613] : memref<24x128xf32, #tpu.memory_space<vmem>>, vector<1x128xf32>
    tpu.vector_store %arg4[%swap3A_612, %swap3A_613], %sub3A_611 {strides = array<i32>} : memref<24x128xf32, #tpu.memory_space<vmem>>, vector<1x128xf32>,
    %get3A_615 = arith.constant 1 : index
    %get3A_616 = arith.constant 8 : index
    %get3A_617 = arith.constant 0 : index
    %get3A_618 = arith.constant 0 : index
    %get3A_619 = vector.load %arg1[%get3A_615, %get3A_616, %get3A_617, %get3A_618] : memref<2x12x128x64xf32, #tpu.memory_space<vmem>>, vector<1x1x128x64xf32>
    %get3A_620 = vector.shape_cast %get3A_619 : vector<1x1x128x64xf32> to vector<128x64xf32>
    %get3A_621 = arith.constant 1 : index
    %get3A_622 = arith.constant 8 : index
    %get3A_623 = arith.constant 0 : index
    %get3A_624 = arith.constant 0 : index
    %get3A_625 = vector.load %arg2[%get3A_621, %get3A_622, %get3A_623, %get3A_624] : memref<2x12x2048x64xf32, #tpu.memory_space<vmem>>, vector<1x1x2048x64xf32>
    %get3A_626 = vector.shape_cast %get3A_625 : vector<1x1x2048x64xf32> to vector<2048x64xf32>
    %dot_general3A_627 = arith.constant dense<0.000000e+00> : vector<2048x128xf32>
    %dot_general3A_628 = tpu.matmul %get3A_626, %get3A_620, %dot_general3A_627 {dimension_numbers = #tpu.dot_dimension_numbers<[1], [1], [0], [0], [0, 0, 1, 0], [], []>, transpose_lhs_hint = false} : vector<2048x64xf32>, vector<128x64xf32>, vector<2048x128xf32> -> vector<2048x128xf32>
    %jit3A_629 = arith.constant 0xFF800000 : f32
    %broadcast_in_dim3A_630 = vector.broadcast %jit3A_629 : f32 to vector<2048x128xf32>
    %select_n3A_631 = arith.select %gt3A_3, %dot_general3A_628, %broadcast_in_dim3A_630 : vector<2048x128xi1>, vector<2048x128xf32>
    %reduce_max3A_632 = arith.constant dense<0xFF800000> : vector<128xf32>
    %reduce_max3A_633 = vector.multi_reduction <maximumf>, %select_n3A_631, %reduce_max3A_632 [0] : vector<2048x128xf32> to vector<128xf32>
    %broadcast_in_dim3A_634 = vector.shape_cast %reduce_max3A_633 : vector<128xf32> to vector<1x128xf32>
    %mul3A_635 = arith.mulf %dot_general3A_628, %get3A_1 : vector<2048x128xf32>
    %reduce_sum3A_636 = arith.constant dense<0.000000e+00> : vector<128xf32>
    %reduce_sum3A_637 = vector.multi_reduction <add>, %mul3A_635, %reduce_sum3A_636 [0] : vector<2048x128xf32> to vector<128xf32>
    %broadcast_in_dim3A_638 = vector.shape_cast %reduce_sum3A_637 : vector<128xf32> to vector<1x128xf32>
    %mul3A_639 = arith.constant 3.125000e-02 : f32
    %mul3A_640 = vector.broadcast %mul3A_639 : f32 to vector<1x128xf32>
    %mul3A_641 = arith.mulf %broadcast_in_dim3A_638, %mul3A_640 : vector<1x128xf32>
    %sub3A_642 = arith.subf %broadcast_in_dim3A_634, %mul3A_641 : vector<1x128xf32>
    %swap3A_643 = arith.constant 20 : index
    %swap3A_644 = arith.constant 0 : index
    %swap3A_645 = vector.load %arg4[%swap3A_643, %swap3A_644] : memref<24x128xf32, #tpu.memory_space<vmem>>, vector<1x128xf32>
    tpu.vector_store %arg4[%swap3A_643, %swap3A_644], %sub3A_642 {strides = array<i32>} : memref<24x128xf32, #tpu.memory_space<vmem>>, vector<1x128xf32>,
    %get3A_646 = arith.constant 1 : index
    %get3A_647 = arith.constant 9 : index
    %get3A_648 = arith.constant 0 : index
    %get3A_649 = arith.constant 0 : index
    %get3A_650 = vector.load %arg1[%get3A_646, %get3A_647, %get3A_648, %get3A_649] : memref<2x12x128x64xf32, #tpu.memory_space<vmem>>, vector<1x1x128x64xf32>
    %get3A_651 = vector.shape_cast %get3A_650 : vector<1x1x128x64xf32> to vector<128x64xf32>
    %get3A_652 = arith.constant 1 : index
    %get3A_653 = arith.constant 9 : index
    %get3A_654 = arith.constant 0 : index
    %get3A_655 = arith.constant 0 : index
    %get3A_656 = vector.load %arg2[%get3A_652, %get3A_653, %get3A_654, %get3A_655] : memref<2x12x2048x64xf32, #tpu.memory_space<vmem>>, vector<1x1x2048x64xf32>
    %get3A_657 = vector.shape_cast %get3A_656 : vector<1x1x2048x64xf32> to vector<2048x64xf32>
    %dot_general3A_658 = arith.constant dense<0.000000e+00> : vector<2048x128xf32>
    %dot_general3A_659 = tpu.matmul %get3A_657, %get3A_651, %dot_general3A_658 {dimension_numbers = #tpu.dot_dimension_numbers<[1], [1], [0], [0], [0, 0, 1, 0], [], []>, transpose_lhs_hint = false} : vector<2048x64xf32>, vector<128x64xf32>, vector<2048x128xf32> -> vector<2048x128xf32>
    %jit3A_660 = arith.constant 0xFF800000 : f32
    %broadcast_in_dim3A_661 = vector.broadcast %jit3A_660 : f32 to vector<2048x128xf32>
    %select_n3A_662 = arith.select %gt3A_3, %dot_general3A_659, %broadcast_in_dim3A_661 : vector<2048x128xi1>, vector<2048x128xf32>
    %reduce_max3A_663 = arith.constant dense<0xFF800000> : vector<128xf32>
    %reduce_max3A_664 = vector.multi_reduction <maximumf>, %select_n3A_662, %reduce_max3A_663 [0] : vector<2048x128xf32> to vector<128xf32>
    %broadcast_in_dim3A_665 = vector.shape_cast %reduce_max3A_664 : vector<128xf32> to vector<1x128xf32>
    %mul3A_666 = arith.mulf %dot_general3A_659, %get3A_1 : vector<2048x128xf32>
    %reduce_sum3A_667 = arith.constant dense<0.000000e+00> : vector<128xf32>
    %reduce_sum3A_668 = vector.multi_reduction <add>, %mul3A_666, %reduce_sum3A_667 [0] : vector<2048x128xf32> to vector<128xf32>
    %broadcast_in_dim3A_669 = vector.shape_cast %reduce_sum3A_668 : vector<128xf32> to vector<1x128xf32>
    %mul3A_670 = arith.constant 3.125000e-02 : f32
    %mul3A_671 = vector.broadcast %mul3A_670 : f32 to vector<1x128xf32>
    %mul3A_672 = arith.mulf %broadcast_in_dim3A_669, %mul3A_671 : vector<1x128xf32>
    %sub3A_673 = arith.subf %broadcast_in_dim3A_665, %mul3A_672 : vector<1x128xf32>
    %swap3A_674 = arith.constant 21 : index
    %swap3A_675 = arith.constant 0 : index
    %swap3A_676 = vector.load %arg4[%swap3A_674, %swap3A_675] : memref<24x128xf32, #tpu.memory_space<vmem>>, vector<1x128xf32>
    tpu.vector_store %arg4[%swap3A_674, %swap3A_675], %sub3A_673 {strides = array<i32>} : memref<24x128xf32, #tpu.memory_space<vmem>>, vector<1x128xf32>,
    %get3A_677 = arith.constant 1 : index
    %get3A_678 = arith.constant 10 : index
    %get3A_679 = arith.constant 0 : index
    %get3A_680 = arith.constant 0 : index
    %get3A_681 = vector.load %arg1[%get3A_677, %get3A_678, %get3A_679, %get3A_680] : memref<2x12x128x64xf32, #tpu.memory_space<vmem>>, vector<1x1x128x64xf32>
    %get3A_682 = vector.shape_cast %get3A_681 : vector<1x1x128x64xf32> to vector<128x64xf32>
    %get3A_683 = arith.constant 1 : index
    %get3A_684 = arith.constant 10 : index
    %get3A_685 = arith.constant 0 : index
    %get3A_686 = arith.constant 0 : index
    %get3A_687 = vector.load %arg2[%get3A_683, %get3A_684, %get3A_685, %get3A_686] : memref<2x12x2048x64xf32, #tpu.memory_space<vmem>>, vector<1x1x2048x64xf32>
    %get3A_688 = vector.shape_cast %get3A_687 : vector<1x1x2048x64xf32> to vector<2048x64xf32>
    %dot_general3A_689 = arith.constant dense<0.000000e+00> : vector<2048x128xf32>
    %dot_general3A_690 = tpu.matmul %get3A_688, %get3A_682, %dot_general3A_689 {dimension_numbers = #tpu.dot_dimension_numbers<[1], [1], [0], [0], [0, 0, 1, 0], [], []>, transpose_lhs_hint = false} : vector<2048x64xf32>, vector<128x64xf32>, vector<2048x128xf32> -> vector<2048x128xf32>
    %jit3A_691 = arith.constant 0xFF800000 : f32
    %broadcast_in_dim3A_692 = vector.broadcast %jit3A_691 : f32 to vector<2048x128xf32>
    %select_n3A_693 = arith.select %gt3A_3, %dot_general3A_690, %broadcast_in_dim3A_692 : vector<2048x128xi1>, vector<2048x128xf32>
    %reduce_max3A_694 = arith.constant dense<0xFF800000> : vector<128xf32>
    %reduce_max3A_695 = vector.multi_reduction <maximumf>, %select_n3A_693, %reduce_max3A_694 [0] : vector<2048x128xf32> to vector<128xf32>
    %broadcast_in_dim3A_696 = vector.shape_cast %reduce_max3A_695 : vector<128xf32> to vector<1x128xf32>
    %mul3A_697 = arith.mulf %dot_general3A_690, %get3A_1 : vector<2048x128xf32>
    %reduce_sum3A_698 = arith.constant dense<0.000000e+00> : vector<128xf32>
    %reduce_sum3A_699 = vector.multi_reduction <add>, %mul3A_697, %reduce_sum3A_698 [0] : vector<2048x128xf32> to vector<128xf32>
    %broadcast_in_dim3A_700 = vector.shape_cast %reduce_sum3A_699 : vector<128xf32> to vector<1x128xf32>
    %mul3A_701 = arith.constant 3.125000e-02 : f32
    %mul3A_702 = vector.broadcast %mul3A_701 : f32 to vector<1x128xf32>
    %mul3A_703 = arith.mulf %broadcast_in_dim3A_700, %mul3A_702 : vector<1x128xf32>
    %sub3A_704 = arith.subf %broadcast_in_dim3A_696, %mul3A_703 : vector<1x128xf32>
    %swap3A_705 = arith.constant 22 : index
    %swap3A_706 = arith.constant 0 : index
    %swap3A_707 = vector.load %arg4[%swap3A_705, %swap3A_706] : memref<24x128xf32, #tpu.memory_space<vmem>>, vector<1x128xf32>
    tpu.vector_store %arg4[%swap3A_705, %swap3A_706], %sub3A_704 {strides = array<i32>} : memref<24x128xf32, #tpu.memory_space<vmem>>, vector<1x128xf32>,
    %get3A_708 = arith.constant 1 : index
    %get3A_709 = arith.constant 11 : index
    %get3A_710 = arith.constant 0 : index
    %get3A_711 = arith.constant 0 : index
    %get3A_712 = vector.load %arg1[%get3A_708, %get3A_709, %get3A_710, %get3A_711] : memref<2x12x128x64xf32, #tpu.memory_space<vmem>>, vector<1x1x128x64xf32>
    %get3A_713 = vector.shape_cast %get3A_712 : vector<1x1x128x64xf32> to vector<128x64xf32>
    %get3A_714 = arith.constant 1 : index
    %get3A_715 = arith.constant 11 : index
    %get3A_716 = arith.constant 0 : index
    %get3A_717 = arith.constant 0 : index
    %get3A_718 = vector.load %arg2[%get3A_714, %get3A_715, %get3A_716, %get3A_717] : memref<2x12x2048x64xf32, #tpu.memory_space<vmem>>, vector<1x1x2048x64xf32>
    %get3A_719 = vector.shape_cast %get3A_718 : vector<1x1x2048x64xf32> to vector<2048x64xf32>
    %dot_general3A_720 = arith.constant dense<0.000000e+00> : vector<2048x128xf32>
    %dot_general3A_721 = tpu.matmul %get3A_719, %get3A_713, %dot_general3A_720 {dimension_numbers = #tpu.dot_dimension_numbers<[1], [1], [0], [0], [0, 0, 1, 0], [], []>, transpose_lhs_hint = false} : vector<2048x64xf32>, vector<128x64xf32>, vector<2048x128xf32> -> vector<2048x128xf32>
    %jit3A_722 = arith.constant 0xFF800000 : f32
    %broadcast_in_dim3A_723 = vector.broadcast %jit3A_722 : f32 to vector<2048x128xf32>
    %select_n3A_724 = arith.select %gt3A_3, %dot_general3A_721, %broadcast_in_dim3A_723 : vector<2048x128xi1>, vector<2048x128xf32>
    %reduce_max3A_725 = arith.constant dense<0xFF800000> : vector<128xf32>
    %reduce_max3A_726 = vector.multi_reduction <maximumf>, %select_n3A_724, %reduce_max3A_725 [0] : vector<2048x128xf32> to vector<128xf32>
    %broadcast_in_dim3A_727 = vector.shape_cast %reduce_max3A_726 : vector<128xf32> to vector<1x128xf32>
    %mul3A_728 = arith.mulf %dot_general3A_721, %get3A_1 : vector<2048x128xf32>
    %reduce_sum3A_729 = arith.constant dense<0.000000e+00> : vector<128xf32>
    %reduce_sum3A_730 = vector.multi_reduction <add>, %mul3A_728, %reduce_sum3A_729 [0] : vector<2048x128xf32> to vector<128xf32>
    %broadcast_in_dim3A_731 = vector.shape_cast %reduce_sum3A_730 : vector<128xf32> to vector<1x128xf32>
    %mul3A_732 = arith.constant 3.125000e-02 : f32
    %mul3A_733 = vector.broadcast %mul3A_732 : f32 to vector<1x128xf32>
    %mul3A_734 = arith.mulf %broadcast_in_dim3A_731, %mul3A_733 : vector<1x128xf32>
    %sub3A_735 = arith.subf %broadcast_in_dim3A_727, %mul3A_734 : vector<1x128xf32>
    %swap3A_736 = arith.constant 23 : index
    %swap3A_737 = arith.constant 0 : index
    %swap3A_738 = vector.load %arg4[%swap3A_736, %swap3A_737] : memref<24x128xf32, #tpu.memory_space<vmem>>, vector<1x128xf32>
    tpu.vector_store %arg4[%swap3A_736, %swap3A_737], %sub3A_735 {strides = array<i32>} : memref<24x128xf32, #tpu.memory_space<vmem>>, vector<1x128xf32>,
    return
  }
  func.func @transform_0(%arg0: i32) -> (i32, i32, i32, i32) {
    %c0_i32 = arith.constant 0 : i32
    %c0_i32_0 = arith.constant 0 : i32
    %c0_i32_1 = arith.constant 0 : i32
    %c0_i32_2 = arith.constant 0 : i32
    return %c0_i32, %c0_i32_0, %arg0, %c0_i32_1 : i32, i32, i32, i32
  }
  func.func @transform_1(%arg0: i32) -> (i32, i32, i32, i32) {
    %c0_i32 = arith.constant 0 : i32
    %c0_i32_0 = arith.constant 0 : i32
    %c0_i32_1 = arith.constant 0 : i32
    %c0_i32_2 = arith.constant 0 : i32
    %c0_i32_3 = arith.constant 0 : i32
    return %c0_i32, %c0_i32_0, %c0_i32_1, %c0_i32_2 : i32, i32, i32, i32
  }
  func.func @transform_2(%arg0: i32) -> (i32, i32) {
    %c0_i32 = arith.constant 0 : i32
    %c0_i32_0 = arith.constant 0 : i32
    return %c0_i32, %arg0 : i32, i32
  }
  func.func @transform_3(%arg0: i32) -> (i32, i32) {
    %c0_i32 = arith.constant 0 : i32
    %c0_i32_0 = arith.constant 0 : i32
    return %c0_i32, %arg0 : i32, i32
  }
}

module attributes {stable_mosaic.version = 14 : i64} {
  func.func @_topk_body(%arg0: memref<24x2048xf32, #tpu.memory_space<vmem>>, %arg1: memref<24x32xi32, #tpu.memory_space<vmem>>) attributes {dimension_semantics = [], scalar_prefetch = 0 : i64, scratch_operands = 0 : i64, tpu.core_type = #tpu.core_type<tc>} {
    %get3A = arith.constant 0 : index
    %get3A_0 = arith.constant 0 : index
    %get3A_1 = vector.load %arg0[%get3A, %get3A_0] : memref<24x2048xf32, #tpu.memory_space<vmem>>, vector<24x2048xf32>
    %iota3A = tpu.iota {dimensions = array<i32: 1>} : vector<1x2048xi32>
    %iota3A_2 = tpu.iota {dimensions = array<i32: 1>} : vector<24x32xi32>
    %broadcast_in_dim3A = arith.constant 0 : i32
    %broadcast_in_dim3A_3 = vector.broadcast %broadcast_in_dim3A : i32 to vector<24x32xi32>
    %scan3A = arith.constant 0 : i32
    %scan3A_4 = arith.constant 32 : i32
    %scan3A_5 = arith.addi %scan3A, %scan3A_4 : i32
    %scan3A_6 = arith.constant 1 : i32
    %scan3A_7:2 = scf.for %scan3A_11 = %scan3A to %scan3A_5 step %scan3A_6 iter_args(%scan3A_12 = %get3A_1, %scan3A_13 = %broadcast_in_dim3A_3) -> (vector<24x2048xf32>, vector<24x32xi32>)  : i32 {
      %reduce_max3A = arith.constant dense<0xFF800000> : vector<24xf32>
      %reduce_max3A_14 = vector.multi_reduction <maximumf>, %scan3A_12, %reduce_max3A [1] : vector<24x2048xf32> to vector<24xf32>
      %broadcast_in_dim3A_15 = vector.shape_cast %reduce_max3A_14 : vector<24xf32> to vector<24x1xf32>
      %eq3A = vector.broadcast %broadcast_in_dim3A_15 : vector<24x1xf32> to vector<24x2048xf32>
      %eq3A_16 = arith.cmpf oeq, %scan3A_12, %eq3A : vector<24x2048xf32>
      %jit3A = arith.constant 2048 : i32
      %broadcast_in_dim3A_17 = vector.shape_cast %iota3A : vector<1x2048xi32> to vector<1x2048xi32>
      %broadcast_in_dim3A_18 = vector.broadcast %broadcast_in_dim3A_17 : vector<1x2048xi32> to vector<24x2048xi32>
      %broadcast_in_dim3A_19 = vector.broadcast %jit3A : i32 to vector<24x2048xi32>
      %select_n3A = arith.select %eq3A_16, %broadcast_in_dim3A_18, %broadcast_in_dim3A_19 : vector<24x2048xi1>, vector<24x2048xi32>
      %reduce_min3A = arith.constant dense<2147483647> : vector<24xi32>
      %reduce_min3A_20 = vector.multi_reduction <minsi>, %select_n3A, %reduce_min3A [1] : vector<24x2048xi32> to vector<24xi32>
      %broadcast_in_dim3A_21 = vector.shape_cast %reduce_min3A_20 : vector<24xi32> to vector<24x1xi32>
      %eq3A_22 = vector.broadcast %scan3A_11 : i32 to vector<24x32xi32>
      %eq3A_23 = arith.cmpi eq, %iota3A_2, %eq3A_22 : vector<24x32xi32>
      %broadcast_in_dim3A_24 = vector.shape_cast %broadcast_in_dim3A_21 : vector<24x1xi32> to vector<24x1xi32>
      %broadcast_in_dim3A_25 = vector.broadcast %broadcast_in_dim3A_24 : vector<24x1xi32> to vector<24x32xi32>
      %select_n3A_26 = arith.select %eq3A_23, %broadcast_in_dim3A_25, %scan3A_13 : vector<24x32xi1>, vector<24x32xi32>
      %eq3A_27 = vector.broadcast %iota3A : vector<1x2048xi32> to vector<24x2048xi32>
      %eq3A_28 = vector.broadcast %broadcast_in_dim3A_21 : vector<24x1xi32> to vector<24x2048xi32>
      %eq3A_29 = arith.cmpi eq, %eq3A_27, %eq3A_28 : vector<24x2048xi32>
      %jit3A_30 = arith.constant 0xFF800000 : f32
      %broadcast_in_dim3A_31 = vector.broadcast %jit3A_30 : f32 to vector<24x2048xf32>
      %select_n3A_32 = arith.select %eq3A_29, %broadcast_in_dim3A_31, %scan3A_12 : vector<24x2048xi1>, vector<24x2048xf32>
      scf.yield %select_n3A_32, %select_n3A_26 : vector<24x2048xf32>, vector<24x32xi32>
    }
    %scan3A_8 = arith.constant 32 : i32
    %swap3A = arith.constant 0 : index
    %swap3A_9 = arith.constant 0 : index
    %swap3A_10 = vector.load %arg1[%swap3A, %swap3A_9] : memref<24x32xi32, #tpu.memory_space<vmem>>, vector<24x32xi32>
    tpu.vector_store %arg1[%swap3A, %swap3A_9], %scan3A_7#1 {strides = array<i32>} : memref<24x32xi32, #tpu.memory_space<vmem>>, vector<24x32xi32>,
    return
  }
}

module attributes {stable_mosaic.version = 14 : i64} {
  func.func @_attn_body(%arg0: i32, %arg1: i32, %arg2: memref<1x1x32xi32, #tpu.memory_space<vmem>>, %arg3: memref<1x1x2048x64xf32, #tpu.memory_space<vmem>>, %arg4: memref<1x1x2048x64xf32, #tpu.memory_space<vmem>>, %arg5: memref<1x1x2048x64xf32, #tpu.memory_space<vmem>>, %arg6: memref<1x64x768xf32, #tpu.memory_space<vmem>>, %arg7: memref<1x768xf32, #tpu.memory_space<vmem>>, %arg8: memref<1x2048x768xf32, #tpu.memory_space<vmem>>) attributes {dimension_semantics = [#tpu.dimension_semantics<arbitrary>, #tpu.dimension_semantics<arbitrary>], iteration_bounds = array<i64: 2, 12>, scalar_prefetch = 0 : i64, scratch_operands = 0 : i64, tpu.core_type = #tpu.core_type<tc>, window_params = [{transform_indices = @transform_0, window_bounds = array<i64: 1, 1, 32>}, {transform_indices = @transform_1, window_bounds = array<i64: 1, 1, 2048, 64>}, {transform_indices = @transform_2, window_bounds = array<i64: 1, 1, 2048, 64>}, {transform_indices = @transform_3, window_bounds = array<i64: 1, 1, 2048, 64>}, {transform_indices = @transform_4, window_bounds = array<i64: 1, 64, 768>}, {pipeline_mode = #tpu.pipeline_mode<synchronous>, transform_indices = @transform_5, window_bounds = array<i64: 1, 768>}, {transform_indices = @transform_6, window_bounds = array<i64: 1, 2048, 768>}]} {
    %get3A = arith.constant 0 : index
    %get3A_0 = arith.constant 0 : index
    %get3A_1 = arith.constant 0 : index
    %get3A_2 = arith.constant 0 : index
    %get3A_3 = vector.load %arg3[%get3A, %get3A_0, %get3A_1, %get3A_2] : memref<1x1x2048x64xf32, #tpu.memory_space<vmem>>, vector<1x1x2048x64xf32>
    %get3A_4 = vector.shape_cast %get3A_3 : vector<1x1x2048x64xf32> to vector<2048x64xf32>
    %get3A_5 = arith.constant 0 : index
    %get3A_6 = arith.constant 0 : index
    %get3A_7 = arith.constant 0 : index
    %get3A_8 = arith.constant 0 : index
    %get3A_9 = vector.load %arg4[%get3A_5, %get3A_6, %get3A_7, %get3A_8] : memref<1x1x2048x64xf32, #tpu.memory_space<vmem>>, vector<1x1x2048x64xf32>
    %get3A_10 = vector.shape_cast %get3A_9 : vector<1x1x2048x64xf32> to vector<2048x64xf32>
    %get3A_11 = arith.constant 0 : index
    %get3A_12 = arith.constant 0 : index
    %get3A_13 = arith.constant 0 : index
    %get3A_14 = arith.constant 0 : index
    %get3A_15 = vector.load %arg5[%get3A_11, %get3A_12, %get3A_13, %get3A_14] : memref<1x1x2048x64xf32, #tpu.memory_space<vmem>>, vector<1x1x2048x64xf32>
    %get3A_16 = vector.shape_cast %get3A_15 : vector<1x1x2048x64xf32> to vector<2048x64xf32>
    %iota3A = tpu.iota {dimensions = array<i32: 0>} : vector<2048x1xi32>
    %get3A_17 = arith.constant 0 : index
    %get3A_18 = arith.constant 0 : index
    %get3A_19 = arith.constant 0 : index
    %get3A_20 = vector.load %arg2[%get3A_17, %get3A_18, %get3A_19] : memref<1x1x32xi32, #tpu.memory_space<vmem>>, vector<1x1x32xi32>
    %get3A_21 = vector.shape_cast %get3A_20 : vector<1x1x32xi32> to vector<1x32xi32>
    %eq3A = vector.broadcast %iota3A : vector<2048x1xi32> to vector<2048x32xi32>
    %eq3A_22 = vector.broadcast %get3A_21 : vector<1x32xi32> to vector<2048x32xi32>
    %eq3A_23 = arith.cmpi eq, %eq3A, %eq3A_22 : vector<2048x32xi32>
    %convert_element_type3A = arith.extui %eq3A_23 : vector<2048x32xi1> to vector<2048x32xi32>
    %convert_element_type3A_24 = arith.sitofp %convert_element_type3A : vector<2048x32xi32> to vector<2048x32xf32>
    %dot_general3A = arith.constant dense<0.000000e+00> : vector<32x64xf32>
    %dot_general3A_25 = tpu.matmul %convert_element_type3A_24, %get3A_4, %dot_general3A {dimension_numbers = #tpu.dot_dimension_numbers<[0], [0], [1], [1], [0, 1, 1, 1], [], []>, transpose_lhs_hint = false} : vector<2048x32xf32>, vector<2048x64xf32>, vector<32x64xf32> -> vector<32x64xf32>
    %dot_general3A_26 = arith.constant dense<0.000000e+00> : vector<32x2048xf32>
    %dot_general3A_27 = tpu.matmul %dot_general3A_25, %get3A_10, %dot_general3A_26 {dimension_numbers = #tpu.dot_dimension_numbers<[1], [1], [0], [0], [0, 0, 1, 0], [], []>, transpose_lhs_hint = false} : vector<32x64xf32>, vector<2048x64xf32>, vector<32x2048xf32> -> vector<32x2048xf32>
    %mul3A = arith.constant 1.250000e-01 : f32
    %mul3A_28 = vector.broadcast %mul3A : f32 to vector<32x2048xf32>
    %mul3A_29 = arith.mulf %dot_general3A_27, %mul3A_28 : vector<32x2048xf32>
    %reduce_max3A = arith.constant dense<0xFF800000> : vector<32xf32>
    %reduce_max3A_30 = vector.multi_reduction <maximumf>, %mul3A_29, %reduce_max3A [1] : vector<32x2048xf32> to vector<32xf32>
    %broadcast_in_dim3A = vector.shape_cast %reduce_max3A_30 : vector<32xf32> to vector<32x1xf32>
    %sub3A = vector.broadcast %broadcast_in_dim3A : vector<32x1xf32> to vector<32x2048xf32>
    %sub3A_31 = arith.subf %mul3A_29, %sub3A : vector<32x2048xf32>
    %exp3A = math.exp %sub3A_31 : vector<32x2048xf32>
    %reduce_sum3A = arith.constant dense<0.000000e+00> : vector<32xf32>
    %reduce_sum3A_32 = vector.multi_reduction <add>, %exp3A, %reduce_sum3A [1] : vector<32x2048xf32> to vector<32xf32>
    %broadcast_in_dim3A_33 = vector.shape_cast %reduce_sum3A_32 : vector<32xf32> to vector<32x1xf32>
    %div3A = vector.broadcast %broadcast_in_dim3A_33 : vector<32x1xf32> to vector<32x2048xf32>
    %div3A_34 = arith.divf %exp3A, %div3A : vector<32x2048xf32>
    %dot_general3A_35 = arith.constant dense<0.000000e+00> : vector<32x64xf32>
    %dot_general3A_36 = tpu.matmul %div3A_34, %get3A_16, %dot_general3A_35 {dimension_numbers = #tpu.dot_dimension_numbers<[1], [0], [0], [1], [0, 0, 1, 1], [], []>, transpose_lhs_hint = false} : vector<32x2048xf32>, vector<2048x64xf32>, vector<32x64xf32> -> vector<32x64xf32>
    %reduce_sum3A_37 = arith.constant dense<0.000000e+00> : vector<64xf32>
    %reduce_sum3A_38 = vector.multi_reduction <add>, %get3A_16, %reduce_sum3A_37 [0] : vector<2048x64xf32> to vector<64xf32>
    %broadcast_in_dim3A_39 = vector.shape_cast %reduce_sum3A_38 : vector<64xf32> to vector<1x64xf32>
    %div3A_40 = arith.constant 2.048000e+03 : f32
    %div3A_41 = vector.broadcast %div3A_40 : f32 to vector<1x64xf32>
    %div3A_42 = arith.divf %broadcast_in_dim3A_39, %div3A_41 : vector<1x64xf32>
    %get3A_43 = arith.constant 0 : index
    %get3A_44 = arith.constant 0 : index
    %get3A_45 = arith.constant 0 : index
    %get3A_46 = vector.load %arg6[%get3A_43, %get3A_44, %get3A_45] : memref<1x64x768xf32, #tpu.memory_space<vmem>>, vector<1x64x768xf32>
    %get3A_47 = vector.shape_cast %get3A_46 : vector<1x64x768xf32> to vector<64x768xf32>
    %sub3A_48 = vector.broadcast %div3A_42 : vector<1x64xf32> to vector<32x64xf32>
    %sub3A_49 = arith.subf %dot_general3A_36, %sub3A_48 : vector<32x64xf32>
    %dot_general3A_50 = arith.constant dense<0.000000e+00> : vector<32x768xf32>
    %dot_general3A_51 = tpu.matmul %sub3A_49, %get3A_47, %dot_general3A_50 {dimension_numbers = #tpu.dot_dimension_numbers<[1], [0], [0], [1], [0, 0, 1, 1], [], []>, transpose_lhs_hint = false} : vector<32x64xf32>, vector<64x768xf32>, vector<32x768xf32> -> vector<32x768xf32>
    %dot_general3A_52 = arith.constant dense<0.000000e+00> : vector<2048x768xf32>
    %dot_general3A_53 = tpu.matmul %convert_element_type3A_24, %dot_general3A_51, %dot_general3A_52 {dimension_numbers = #tpu.dot_dimension_numbers<[1], [0], [0], [1], [0, 0, 1, 1], [], []>, transpose_lhs_hint = false} : vector<2048x32xf32>, vector<32x768xf32>, vector<2048x768xf32> -> vector<2048x768xf32>
    %dot_general3A_54 = arith.constant dense<0.000000e+00> : vector<1x768xf32>
    %dot_general3A_55 = tpu.matmul %div3A_42, %get3A_47, %dot_general3A_54 {dimension_numbers = #tpu.dot_dimension_numbers<[1], [0], [0], [1], [0, 0, 1, 1], [], []>, transpose_lhs_hint = false} : vector<1x64xf32>, vector<64x768xf32>, vector<1x768xf32> -> vector<1x768xf32>
    %add3A = vector.broadcast %dot_general3A_55 : vector<1x768xf32> to vector<2048x768xf32>
    %add3A_56 = arith.addf %dot_general3A_53, %add3A : vector<2048x768xf32>
    %eq3A_57 = arith.constant 0 : i32
    %eq3A_58 = arith.cmpi eq, %arg1, %eq3A_57 : i32
    %convert_element_type3A_59 = arith.extui %eq3A_58 : i1 to i32
    %cond3A = arith.constant 0 : i32
    %cond3A_60 = arith.cmpi ne, %convert_element_type3A_59, %cond3A : i32
    scf.if %cond3A_60 {
      %get3A_65 = arith.constant 0 : index
      %get3A_66 = arith.constant 0 : index
      %get3A_67 = vector.load %arg7[%get3A_65, %get3A_66] : memref<1x768xf32, #tpu.memory_space<vmem>>, vector<1x768xf32>
      %add3A_68 = vector.broadcast %get3A_67 : vector<1x768xf32> to vector<2048x768xf32>
      %add3A_69 = arith.addf %add3A_56, %add3A_68 : vector<2048x768xf32>
      %swap3A = arith.constant 0 : index
      %swap3A_70 = arith.constant 0 : index
      %swap3A_71 = arith.constant 0 : index
      %swap3A_72 = vector.load %arg8[%swap3A, %swap3A_70, %swap3A_71] : memref<1x2048x768xf32, #tpu.memory_space<vmem>>, vector<1x2048x768xf32>
      %swap3A_73 = vector.shape_cast %swap3A_72 : vector<1x2048x768xf32> to vector<2048x768xf32>
      %swap3A_74 = vector.shape_cast %add3A_69 : vector<2048x768xf32> to vector<1x2048x768xf32>
      tpu.vector_store %arg8[%swap3A, %swap3A_70, %swap3A_71], %swap3A_74 {strides = array<i32>} : memref<1x2048x768xf32, #tpu.memory_space<vmem>>, vector<1x2048x768xf32>,
    } else {
    }
    %ne3A = arith.constant 0 : i32
    %ne3A_61 = arith.cmpi ne, %arg1, %ne3A : i32
    %convert_element_type3A_62 = arith.extui %ne3A_61 : i1 to i32
    %cond3A_63 = arith.constant 0 : i32
    %cond3A_64 = arith.cmpi ne, %convert_element_type3A_62, %cond3A_63 : i32
    scf.if %cond3A_64 {
      %get3A_65 = arith.constant 0 : index
      %get3A_66 = arith.constant 0 : index
      %get3A_67 = arith.constant 0 : index
      %get3A_68 = vector.load %arg8[%get3A_65, %get3A_66, %get3A_67] : memref<1x2048x768xf32, #tpu.memory_space<vmem>>, vector<1x2048x768xf32>
      %get3A_69 = vector.shape_cast %get3A_68 : vector<1x2048x768xf32> to vector<2048x768xf32>
      %add3A_70 = arith.addf %get3A_69, %add3A_56 : vector<2048x768xf32>
      %swap3A = arith.constant 0 : index
      %swap3A_71 = arith.constant 0 : index
      %swap3A_72 = arith.constant 0 : index
      %swap3A_73 = vector.load %arg8[%swap3A, %swap3A_71, %swap3A_72] : memref<1x2048x768xf32, #tpu.memory_space<vmem>>, vector<1x2048x768xf32>
      %swap3A_74 = vector.shape_cast %swap3A_73 : vector<1x2048x768xf32> to vector<2048x768xf32>
      %swap3A_75 = vector.shape_cast %add3A_70 : vector<2048x768xf32> to vector<1x2048x768xf32>
      tpu.vector_store %arg8[%swap3A, %swap3A_71, %swap3A_72], %swap3A_75 {strides = array<i32>} : memref<1x2048x768xf32, #tpu.memory_space<vmem>>, vector<1x2048x768xf32>,
    } else {
    }
    return
  }
  func.func @transform_0(%arg0: i32, %arg1: i32) -> (i32, i32, i32) {
    %mul3A = arith.constant 12 : i32
    %mul3A_0 = arith.muli %arg0, %mul3A : i32
    %add3A = arith.addi %mul3A_0, %arg1 : i32
    %c0_i32 = arith.constant 0 : i32
    %c0_i32_1 = arith.constant 0 : i32
    %c0_i32_2 = arith.constant 0 : i32
    return %add3A, %c0_i32, %c0_i32_1 : i32, i32, i32
  }
  func.func @transform_1(%arg0: i32, %arg1: i32) -> (i32, i32, i32, i32) {
    %c0_i32 = arith.constant 0 : i32
    %c0_i32_0 = arith.constant 0 : i32
    %c0_i32_1 = arith.constant 0 : i32
    return %arg0, %arg1, %c0_i32, %c0_i32_0 : i32, i32, i32, i32
  }
  func.func @transform_2(%arg0: i32, %arg1: i32) -> (i32, i32, i32, i32) {
    %c0_i32 = arith.constant 0 : i32
    %c0_i32_0 = arith.constant 0 : i32
    %c0_i32_1 = arith.constant 0 : i32
    return %arg0, %arg1, %c0_i32, %c0_i32_0 : i32, i32, i32, i32
  }
  func.func @transform_3(%arg0: i32, %arg1: i32) -> (i32, i32, i32, i32) {
    %c0_i32 = arith.constant 0 : i32
    %c0_i32_0 = arith.constant 0 : i32
    %c0_i32_1 = arith.constant 0 : i32
    return %arg0, %arg1, %c0_i32, %c0_i32_0 : i32, i32, i32, i32
  }
  func.func @transform_4(%arg0: i32, %arg1: i32) -> (i32, i32, i32) {
    %c0_i32 = arith.constant 0 : i32
    %c0_i32_0 = arith.constant 0 : i32
    %c0_i32_1 = arith.constant 0 : i32
    return %arg1, %c0_i32, %c0_i32_0 : i32, i32, i32
  }
  func.func @transform_5(%arg0: i32, %arg1: i32) -> (i32, i32) {
    %c0_i32 = arith.constant 0 : i32
    %c0_i32_0 = arith.constant 0 : i32
    %c0_i32_1 = arith.constant 0 : i32
    return %c0_i32, %c0_i32_0 : i32, i32
  }
  func.func @transform_6(%arg0: i32, %arg1: i32) -> (i32, i32, i32) {
    %c0_i32 = arith.constant 0 : i32
    %c0_i32_0 = arith.constant 0 : i32
    %c0_i32_1 = arith.constant 0 : i32
    return %arg0, %c0_i32, %c0_i32_0 : i32, i32, i32
  }
}

module attributes {stable_mosaic.version = 14 : i64} {
  func.func @_ffn_body(%arg0: i32, %arg1: i32, %arg2: memref<1x256x768xf32, #tpu.memory_space<vmem>>, %arg3: memref<1x256x768xf32, #tpu.memory_space<vmem>>, %arg4: memref<768x2048xf32, #tpu.memory_space<vmem>>, %arg5: memref<1x2048xf32, #tpu.memory_space<vmem>>, %arg6: memref<2048x768xf32, #tpu.memory_space<vmem>>, %arg7: memref<1x768xf32, #tpu.memory_space<vmem>>, %arg8: memref<1x768xf32, #tpu.memory_space<vmem>>, %arg9: memref<1x768xf32, #tpu.memory_space<vmem>>, %arg10: memref<1x768xf32, #tpu.memory_space<vmem>>, %arg11: memref<1x768xf32, #tpu.memory_space<vmem>>, %arg12: memref<1x256x768xf32, #tpu.memory_space<vmem>>) attributes {dimension_semantics = [#tpu.dimension_semantics<arbitrary>, #tpu.dimension_semantics<arbitrary>], iteration_bounds = array<i64: 2, 8>, scalar_prefetch = 0 : i64, scratch_operands = 0 : i64, tpu.core_type = #tpu.core_type<tc>, window_params = [{transform_indices = @transform_0, window_bounds = array<i64: 1, 256, 768>}, {transform_indices = @transform_1, window_bounds = array<i64: 1, 256, 768>}, {pipeline_mode = #tpu.pipeline_mode<synchronous>, transform_indices = @transform_2, window_bounds = array<i64: 768, 2048>}, {pipeline_mode = #tpu.pipeline_mode<synchronous>, transform_indices = @transform_3, window_bounds = array<i64: 1, 2048>}, {pipeline_mode = #tpu.pipeline_mode<synchronous>, transform_indices = @transform_4, window_bounds = array<i64: 2048, 768>}, {pipeline_mode = #tpu.pipeline_mode<synchronous>, transform_indices = @transform_5, window_bounds = array<i64: 1, 768>}, {pipeline_mode = #tpu.pipeline_mode<synchronous>, transform_indices = @transform_6, window_bounds = array<i64: 1, 768>}, {pipeline_mode = #tpu.pipeline_mode<synchronous>, transform_indices = @transform_7, window_bounds = array<i64: 1, 768>}, {pipeline_mode = #tpu.pipeline_mode<synchronous>, transform_indices = @transform_8, window_bounds = array<i64: 1, 768>}, {pipeline_mode = #tpu.pipeline_mode<synchronous>, transform_indices = @transform_9, window_bounds = array<i64: 1, 768>}, {transform_indices = @transform_10, window_bounds = array<i64: 1, 256, 768>}]} {
    %get3A = arith.constant 0 : index
    %get3A_0 = arith.constant 0 : index
    %get3A_1 = arith.constant 0 : index
    %get3A_2 = vector.load %arg2[%get3A, %get3A_0, %get3A_1] : memref<1x256x768xf32, #tpu.memory_space<vmem>>, vector<1x256x768xf32>
    %get3A_3 = vector.shape_cast %get3A_2 : vector<1x256x768xf32> to vector<256x768xf32>
    %get3A_4 = arith.constant 0 : index
    %get3A_5 = arith.constant 0 : index
    %get3A_6 = arith.constant 0 : index
    %get3A_7 = vector.load %arg3[%get3A_4, %get3A_5, %get3A_6] : memref<1x256x768xf32, #tpu.memory_space<vmem>>, vector<1x256x768xf32>
    %get3A_8 = vector.shape_cast %get3A_7 : vector<1x256x768xf32> to vector<256x768xf32>
    %add3A = arith.addf %get3A_3, %get3A_8 : vector<256x768xf32>
    %get3A_9 = arith.constant 0 : index
    %get3A_10 = arith.constant 0 : index
    %get3A_11 = vector.load %arg8[%get3A_9, %get3A_10] : memref<1x768xf32, #tpu.memory_space<vmem>>, vector<1x768xf32>
    %get3A_12 = arith.constant 0 : index
    %get3A_13 = arith.constant 0 : index
    %get3A_14 = vector.load %arg9[%get3A_12, %get3A_13] : memref<1x768xf32, #tpu.memory_space<vmem>>, vector<1x768xf32>
    %reduce_sum3A = arith.constant dense<0.000000e+00> : vector<256xf32>
    %reduce_sum3A_15 = vector.multi_reduction <add>, %add3A, %reduce_sum3A [1] : vector<256x768xf32> to vector<256xf32>
    %broadcast_in_dim3A = vector.shape_cast %reduce_sum3A_15 : vector<256xf32> to vector<256x1xf32>
    %div3A = arith.constant 7.680000e+02 : f32
    %div3A_16 = vector.broadcast %div3A : f32 to vector<256x1xf32>
    %div3A_17 = arith.divf %broadcast_in_dim3A, %div3A_16 : vector<256x1xf32>
    %sub3A = vector.broadcast %div3A_17 : vector<256x1xf32> to vector<256x768xf32>
    %sub3A_18 = arith.subf %add3A, %sub3A : vector<256x768xf32>
    %integer_pow3A = arith.mulf %sub3A_18, %sub3A_18 : vector<256x768xf32>
    %reduce_sum3A_19 = arith.constant dense<0.000000e+00> : vector<256xf32>
    %reduce_sum3A_20 = vector.multi_reduction <add>, %integer_pow3A, %reduce_sum3A_19 [1] : vector<256x768xf32> to vector<256xf32>
    %broadcast_in_dim3A_21 = vector.shape_cast %reduce_sum3A_20 : vector<256xf32> to vector<256x1xf32>
    %div3A_22 = arith.constant 7.680000e+02 : f32
    %div3A_23 = vector.broadcast %div3A_22 : f32 to vector<256x1xf32>
    %div3A_24 = arith.divf %broadcast_in_dim3A_21, %div3A_23 : vector<256x1xf32>
    %sub3A_25 = vector.broadcast %div3A_17 : vector<256x1xf32> to vector<256x768xf32>
    %sub3A_26 = arith.subf %add3A, %sub3A_25 : vector<256x768xf32>
    %add3A_27 = arith.constant 1.000000e-03 : f32
    %add3A_28 = vector.broadcast %add3A_27 : f32 to vector<256x1xf32>
    %add3A_29 = arith.addf %div3A_24, %add3A_28 : vector<256x1xf32>
    %rsqrt3A = math.rsqrt %add3A_29 : vector<256x1xf32>
    %mul3A = vector.broadcast %rsqrt3A : vector<256x1xf32> to vector<256x768xf32>
    %mul3A_30 = arith.mulf %sub3A_26, %mul3A : vector<256x768xf32>
    %mul3A_31 = vector.broadcast %get3A_11 : vector<1x768xf32> to vector<256x768xf32>
    %mul3A_32 = arith.mulf %mul3A_30, %mul3A_31 : vector<256x768xf32>
    %add3A_33 = vector.broadcast %get3A_14 : vector<1x768xf32> to vector<256x768xf32>
    %add3A_34 = arith.addf %mul3A_32, %add3A_33 : vector<256x768xf32>
    %get3A_35 = arith.constant 0 : index
    %get3A_36 = arith.constant 0 : index
    %get3A_37 = vector.load %arg4[%get3A_35, %get3A_36] : memref<768x2048xf32, #tpu.memory_space<vmem>>, vector<768x2048xf32>
    %dot_general3A = arith.constant dense<0.000000e+00> : vector<256x2048xf32>
    %dot_general3A_38 = tpu.matmul %add3A_34, %get3A_37, %dot_general3A {dimension_numbers = #tpu.dot_dimension_numbers<[1], [0], [0], [1], [0, 0, 1, 1], [], []>, transpose_lhs_hint = false} : vector<256x768xf32>, vector<768x2048xf32>, vector<256x2048xf32> -> vector<256x2048xf32>
    %get3A_39 = arith.constant 0 : index
    %get3A_40 = arith.constant 0 : index
    %get3A_41 = vector.load %arg5[%get3A_39, %get3A_40] : memref<1x2048xf32, #tpu.memory_space<vmem>>, vector<1x2048xf32>
    %add3A_42 = vector.broadcast %get3A_41 : vector<1x2048xf32> to vector<256x2048xf32>
    %add3A_43 = arith.addf %dot_general3A_38, %add3A_42 : vector<256x2048xf32>
    %gt3A = arith.constant 0.000000e+00 : f32
    %gt3A_44 = vector.broadcast %gt3A : f32 to vector<256x2048xf32>
    %gt3A_45 = arith.cmpf ogt, %add3A_43, %gt3A_44 : vector<256x2048xf32>
    %exp3A = math.exp %add3A_43 : vector<256x2048xf32>
    %sub3A_46 = arith.constant 1.000000e+00 : f32
    %sub3A_47 = vector.broadcast %sub3A_46 : f32 to vector<256x2048xf32>
    %sub3A_48 = arith.subf %exp3A, %sub3A_47 : vector<256x2048xf32>
    %select_n3A = arith.select %gt3A_45, %add3A_43, %sub3A_48 : vector<256x2048xi1>, vector<256x2048xf32>
    %get3A_49 = arith.constant 0 : index
    %get3A_50 = arith.constant 0 : index
    %get3A_51 = vector.load %arg6[%get3A_49, %get3A_50] : memref<2048x768xf32, #tpu.memory_space<vmem>>, vector<2048x768xf32>
    %dot_general3A_52 = arith.constant dense<0.000000e+00> : vector<256x768xf32>
    %dot_general3A_53 = tpu.matmul %select_n3A, %get3A_51, %dot_general3A_52 {dimension_numbers = #tpu.dot_dimension_numbers<[1], [0], [0], [1], [0, 0, 1, 1], [], []>, transpose_lhs_hint = false} : vector<256x2048xf32>, vector<2048x768xf32>, vector<256x768xf32> -> vector<256x768xf32>
    %get3A_54 = arith.constant 0 : index
    %get3A_55 = arith.constant 0 : index
    %get3A_56 = vector.load %arg7[%get3A_54, %get3A_55] : memref<1x768xf32, #tpu.memory_space<vmem>>, vector<1x768xf32>
    %add3A_57 = vector.broadcast %get3A_56 : vector<1x768xf32> to vector<256x768xf32>
    %add3A_58 = arith.addf %dot_general3A_53, %add3A_57 : vector<256x768xf32>
    %add3A_59 = arith.addf %add3A_34, %add3A_58 : vector<256x768xf32>
    %get3A_60 = arith.constant 0 : index
    %get3A_61 = arith.constant 0 : index
    %get3A_62 = vector.load %arg10[%get3A_60, %get3A_61] : memref<1x768xf32, #tpu.memory_space<vmem>>, vector<1x768xf32>
    %get3A_63 = arith.constant 0 : index
    %get3A_64 = arith.constant 0 : index
    %get3A_65 = vector.load %arg11[%get3A_63, %get3A_64] : memref<1x768xf32, #tpu.memory_space<vmem>>, vector<1x768xf32>
    %reduce_sum3A_66 = arith.constant dense<0.000000e+00> : vector<256xf32>
    %reduce_sum3A_67 = vector.multi_reduction <add>, %add3A_59, %reduce_sum3A_66 [1] : vector<256x768xf32> to vector<256xf32>
    %broadcast_in_dim3A_68 = vector.shape_cast %reduce_sum3A_67 : vector<256xf32> to vector<256x1xf32>
    %div3A_69 = arith.constant 7.680000e+02 : f32
    %div3A_70 = vector.broadcast %div3A_69 : f32 to vector<256x1xf32>
    %div3A_71 = arith.divf %broadcast_in_dim3A_68, %div3A_70 : vector<256x1xf32>
    %sub3A_72 = vector.broadcast %div3A_71 : vector<256x1xf32> to vector<256x768xf32>
    %sub3A_73 = arith.subf %add3A_59, %sub3A_72 : vector<256x768xf32>
    %integer_pow3A_74 = arith.mulf %sub3A_73, %sub3A_73 : vector<256x768xf32>
    %reduce_sum3A_75 = arith.constant dense<0.000000e+00> : vector<256xf32>
    %reduce_sum3A_76 = vector.multi_reduction <add>, %integer_pow3A_74, %reduce_sum3A_75 [1] : vector<256x768xf32> to vector<256xf32>
    %broadcast_in_dim3A_77 = vector.shape_cast %reduce_sum3A_76 : vector<256xf32> to vector<256x1xf32>
    %div3A_78 = arith.constant 7.680000e+02 : f32
    %div3A_79 = vector.broadcast %div3A_78 : f32 to vector<256x1xf32>
    %div3A_80 = arith.divf %broadcast_in_dim3A_77, %div3A_79 : vector<256x1xf32>
    %sub3A_81 = vector.broadcast %div3A_71 : vector<256x1xf32> to vector<256x768xf32>
    %sub3A_82 = arith.subf %add3A_59, %sub3A_81 : vector<256x768xf32>
    %add3A_83 = arith.constant 1.000000e-03 : f32
    %add3A_84 = vector.broadcast %add3A_83 : f32 to vector<256x1xf32>
    %add3A_85 = arith.addf %div3A_80, %add3A_84 : vector<256x1xf32>
    %rsqrt3A_86 = math.rsqrt %add3A_85 : vector<256x1xf32>
    %mul3A_87 = vector.broadcast %rsqrt3A_86 : vector<256x1xf32> to vector<256x768xf32>
    %mul3A_88 = arith.mulf %sub3A_82, %mul3A_87 : vector<256x768xf32>
    %mul3A_89 = vector.broadcast %get3A_62 : vector<1x768xf32> to vector<256x768xf32>
    %mul3A_90 = arith.mulf %mul3A_88, %mul3A_89 : vector<256x768xf32>
    %add3A_91 = vector.broadcast %get3A_65 : vector<1x768xf32> to vector<256x768xf32>
    %add3A_92 = arith.addf %mul3A_90, %add3A_91 : vector<256x768xf32>
    %swap3A = arith.constant 0 : index
    %swap3A_93 = arith.constant 0 : index
    %swap3A_94 = arith.constant 0 : index
    %swap3A_95 = vector.load %arg12[%swap3A, %swap3A_93, %swap3A_94] : memref<1x256x768xf32, #tpu.memory_space<vmem>>, vector<1x256x768xf32>
    %swap3A_96 = vector.shape_cast %swap3A_95 : vector<1x256x768xf32> to vector<256x768xf32>
    %swap3A_97 = vector.shape_cast %add3A_92 : vector<256x768xf32> to vector<1x256x768xf32>
    tpu.vector_store %arg12[%swap3A, %swap3A_93, %swap3A_94], %swap3A_97 {strides = array<i32>} : memref<1x256x768xf32, #tpu.memory_space<vmem>>, vector<1x256x768xf32>,
    return
  }
  func.func @transform_0(%arg0: i32, %arg1: i32) -> (i32, i32, i32) {
    %c0_i32 = arith.constant 0 : i32
    %c0_i32_0 = arith.constant 0 : i32
    return %arg0, %arg1, %c0_i32 : i32, i32, i32
  }
  func.func @transform_1(%arg0: i32, %arg1: i32) -> (i32, i32, i32) {
    %c0_i32 = arith.constant 0 : i32
    %c0_i32_0 = arith.constant 0 : i32
    return %arg0, %arg1, %c0_i32 : i32, i32, i32
  }
  func.func @transform_2(%arg0: i32, %arg1: i32) -> (i32, i32) {
    %c0_i32 = arith.constant 0 : i32
    %c0_i32_0 = arith.constant 0 : i32
    %c0_i32_1 = arith.constant 0 : i32
    return %c0_i32, %c0_i32_0 : i32, i32
  }
  func.func @transform_3(%arg0: i32, %arg1: i32) -> (i32, i32) {
    %c0_i32 = arith.constant 0 : i32
    %c0_i32_0 = arith.constant 0 : i32
    %c0_i32_1 = arith.constant 0 : i32
    return %c0_i32, %c0_i32_0 : i32, i32
  }
  func.func @transform_4(%arg0: i32, %arg1: i32) -> (i32, i32) {
    %c0_i32 = arith.constant 0 : i32
    %c0_i32_0 = arith.constant 0 : i32
    %c0_i32_1 = arith.constant 0 : i32
    return %c0_i32, %c0_i32_0 : i32, i32
  }
  func.func @transform_5(%arg0: i32, %arg1: i32) -> (i32, i32) {
    %c0_i32 = arith.constant 0 : i32
    %c0_i32_0 = arith.constant 0 : i32
    %c0_i32_1 = arith.constant 0 : i32
    return %c0_i32, %c0_i32_0 : i32, i32
  }
  func.func @transform_6(%arg0: i32, %arg1: i32) -> (i32, i32) {
    %c0_i32 = arith.constant 0 : i32
    %c0_i32_0 = arith.constant 0 : i32
    %c0_i32_1 = arith.constant 0 : i32
    return %c0_i32, %c0_i32_0 : i32, i32
  }
  func.func @transform_7(%arg0: i32, %arg1: i32) -> (i32, i32) {
    %c0_i32 = arith.constant 0 : i32
    %c0_i32_0 = arith.constant 0 : i32
    %c0_i32_1 = arith.constant 0 : i32
    return %c0_i32, %c0_i32_0 : i32, i32
  }
  func.func @transform_8(%arg0: i32, %arg1: i32) -> (i32, i32) {
    %c0_i32 = arith.constant 0 : i32
    %c0_i32_0 = arith.constant 0 : i32
    %c0_i32_1 = arith.constant 0 : i32
    return %c0_i32, %c0_i32_0 : i32, i32
  }
  func.func @transform_9(%arg0: i32, %arg1: i32) -> (i32, i32) {
    %c0_i32 = arith.constant 0 : i32
    %c0_i32_0 = arith.constant 0 : i32
    %c0_i32_1 = arith.constant 0 : i32
    return %c0_i32, %c0_i32_0 : i32, i32
  }
  func.func @transform_10(%arg0: i32, %arg1: i32) -> (i32, i32, i32) {
    %c0_i32 = arith.constant 0 : i32
    %c0_i32_0 = arith.constant 0 : i32
    return %arg0, %arg1, %c0_i32 : i32, i32, i32
  }
}

module attributes {stable_mosaic.version = 14 : i64} {
  func.func @_conv_body(%arg0: i32, %arg1: memref<1x2048x768xf32, #tpu.memory_space<vmem>>, %arg2: memref<768x768xf32, #tpu.memory_space<vmem>>, %arg3: memref<768x768xf32, #tpu.memory_space<vmem>>, %arg4: memref<768x768xf32, #tpu.memory_space<vmem>>, %arg5: memref<1x768xf32, #tpu.memory_space<vmem>>, %arg6: memref<1x2048x768xf32, #tpu.memory_space<vmem>>, %arg7: memref<1x1x768xf32, #tpu.memory_space<vmem>>, %arg8: memref<1x1x768xf32, #tpu.memory_space<vmem>>) attributes {dimension_semantics = [#tpu.dimension_semantics<arbitrary>], iteration_bounds = array<i64: 2>, scalar_prefetch = 0 : i64, scratch_operands = 0 : i64, tpu.core_type = #tpu.core_type<tc>, window_params = [{transform_indices = @transform_0, window_bounds = array<i64: 1, 2048, 768>}, {pipeline_mode = #tpu.pipeline_mode<synchronous>, transform_indices = @transform_1, window_bounds = array<i64: 768, 768>}, {pipeline_mode = #tpu.pipeline_mode<synchronous>, transform_indices = @transform_2, window_bounds = array<i64: 768, 768>}, {pipeline_mode = #tpu.pipeline_mode<synchronous>, transform_indices = @transform_3, window_bounds = array<i64: 768, 768>}, {pipeline_mode = #tpu.pipeline_mode<synchronous>, transform_indices = @transform_4, window_bounds = array<i64: 1, 768>}, {transform_indices = @transform_5, window_bounds = array<i64: 1, 2048, 768>}, {transform_indices = @transform_6, window_bounds = array<i64: 1, 1, 768>}, {transform_indices = @transform_7, window_bounds = array<i64: 1, 1, 768>}]} {
    %get3A = arith.constant 0 : index
    %get3A_0 = arith.constant 0 : index
    %get3A_1 = arith.constant 0 : index
    %get3A_2 = vector.load %arg1[%get3A, %get3A_0, %get3A_1] : memref<1x2048x768xf32, #tpu.memory_space<vmem>>, vector<1x2048x768xf32>
    %get3A_3 = vector.shape_cast %get3A_2 : vector<1x2048x768xf32> to vector<2048x768xf32>
    %get3A_4 = arith.constant 0 : index
    %get3A_5 = arith.constant 0 : index
    %get3A_6 = vector.load %arg2[%get3A_4, %get3A_5] : memref<768x768xf32, #tpu.memory_space<vmem>>, vector<768x768xf32>
    %dot_general3A = arith.constant dense<0.000000e+00> : vector<2048x768xf32>
    %dot_general3A_7 = tpu.matmul %get3A_3, %get3A_6, %dot_general3A {dimension_numbers = #tpu.dot_dimension_numbers<[1], [0], [0], [1], [0, 0, 1, 1], [], []>, transpose_lhs_hint = false} : vector<2048x768xf32>, vector<768x768xf32>, vector<2048x768xf32> -> vector<2048x768xf32>
    %get3A_8 = arith.constant 0 : index
    %get3A_9 = arith.constant 0 : index
    %get3A_10 = vector.load %arg4[%get3A_8, %get3A_9] : memref<768x768xf32, #tpu.memory_space<vmem>>, vector<768x768xf32>
    %dot_general3A_11 = arith.constant dense<0.000000e+00> : vector<2048x768xf32>
    %dot_general3A_12 = tpu.matmul %get3A_3, %get3A_10, %dot_general3A_11 {dimension_numbers = #tpu.dot_dimension_numbers<[1], [0], [0], [1], [0, 0, 1, 1], [], []>, transpose_lhs_hint = false} : vector<2048x768xf32>, vector<768x768xf32>, vector<2048x768xf32> -> vector<2048x768xf32>
    %broadcast_in_dim3A = arith.constant 0.000000e+00 : f32
    %broadcast_in_dim3A_13 = vector.broadcast %broadcast_in_dim3A : f32 to vector<1x768xf32>
    %get3A_14 = arith.constant 0 : index
    %get3A_15 = arith.constant 0 : index
    %get3A_16 = vector.load %arg3[%get3A_14, %get3A_15] : memref<768x768xf32, #tpu.memory_space<vmem>>, vector<768x768xf32>
    %dot_general3A_17 = arith.constant dense<0.000000e+00> : vector<2048x768xf32>
    %dot_general3A_18 = tpu.matmul %get3A_3, %get3A_16, %dot_general3A_17 {dimension_numbers = #tpu.dot_dimension_numbers<[1], [0], [0], [1], [0, 0, 1, 1], [], []>, transpose_lhs_hint = false} : vector<2048x768xf32>, vector<768x768xf32>, vector<2048x768xf32> -> vector<2048x768xf32>
    %get3A_19 = arith.constant 0 : index
    %get3A_20 = arith.constant 0 : index
    %get3A_21 = vector.load %arg5[%get3A_19, %get3A_20] : memref<1x768xf32, #tpu.memory_space<vmem>>, vector<1x768xf32>
    %add3A = vector.broadcast %get3A_21 : vector<1x768xf32> to vector<2048x768xf32>
    %add3A_22 = arith.addf %dot_general3A_18, %add3A : vector<2048x768xf32>
    %slice3A = vector.extract_strided_slice %dot_general3A_7 {offsets = [0, 0], sizes = [2047, 768], strides = [1, 1]} : vector<2048x768xf32> to vector<2047x768xf32>
    %concatenate3A = tpu.concatenate %broadcast_in_dim3A_13, %slice3A in 0 : vector<1x768xf32>, vector<2047x768xf32> -> vector<2048x768xf32>
    %add3A_23 = arith.addf %add3A_22, %concatenate3A : vector<2048x768xf32>
    %slice3A_24 = vector.extract_strided_slice %dot_general3A_12 {offsets = [1, 0], sizes = [2047, 768], strides = [1, 1]} : vector<2048x768xf32> to vector<2047x768xf32>
    %concatenate3A_25 = tpu.concatenate %slice3A_24, %broadcast_in_dim3A_13 in 0 : vector<2047x768xf32>, vector<1x768xf32> -> vector<2048x768xf32>
    %add3A_26 = arith.addf %add3A_23, %concatenate3A_25 : vector<2048x768xf32>
    %swap3A = arith.constant 0 : index
    %swap3A_27 = arith.constant 0 : index
    %swap3A_28 = arith.constant 0 : index
    %swap3A_29 = vector.load %arg6[%swap3A, %swap3A_27, %swap3A_28] : memref<1x2048x768xf32, #tpu.memory_space<vmem>>, vector<1x2048x768xf32>
    %swap3A_30 = vector.shape_cast %swap3A_29 : vector<1x2048x768xf32> to vector<2048x768xf32>
    %swap3A_31 = vector.shape_cast %add3A_26 : vector<2048x768xf32> to vector<1x2048x768xf32>
    tpu.vector_store %arg6[%swap3A, %swap3A_27, %swap3A_28], %swap3A_31 {strides = array<i32>} : memref<1x2048x768xf32, #tpu.memory_space<vmem>>, vector<1x2048x768xf32>,
    %reduce_sum3A = arith.constant dense<0.000000e+00> : vector<768xf32>
    %reduce_sum3A_32 = vector.multi_reduction <add>, %add3A_26, %reduce_sum3A [0] : vector<2048x768xf32> to vector<768xf32>
    %broadcast_in_dim3A_33 = vector.shape_cast %reduce_sum3A_32 : vector<768xf32> to vector<1x768xf32>
    %swap3A_34 = arith.constant 0 : index
    %swap3A_35 = arith.constant 0 : index
    %swap3A_36 = arith.constant 0 : index
    %swap3A_37 = vector.load %arg7[%swap3A_34, %swap3A_35, %swap3A_36] : memref<1x1x768xf32, #tpu.memory_space<vmem>>, vector<1x1x768xf32>
    %swap3A_38 = vector.shape_cast %swap3A_37 : vector<1x1x768xf32> to vector<1x768xf32>
    %swap3A_39 = vector.shape_cast %broadcast_in_dim3A_33 : vector<1x768xf32> to vector<1x1x768xf32>
    tpu.vector_store %arg7[%swap3A_34, %swap3A_35, %swap3A_36], %swap3A_39 {strides = array<i32>} : memref<1x1x768xf32, #tpu.memory_space<vmem>>, vector<1x1x768xf32>,
    %mul3A = arith.mulf %add3A_26, %add3A_26 : vector<2048x768xf32>
    %reduce_sum3A_40 = arith.constant dense<0.000000e+00> : vector<768xf32>
    %reduce_sum3A_41 = vector.multi_reduction <add>, %mul3A, %reduce_sum3A_40 [0] : vector<2048x768xf32> to vector<768xf32>
    %broadcast_in_dim3A_42 = vector.shape_cast %reduce_sum3A_41 : vector<768xf32> to vector<1x768xf32>
    %swap3A_43 = arith.constant 0 : index
    %swap3A_44 = arith.constant 0 : index
    %swap3A_45 = arith.constant 0 : index
    %swap3A_46 = vector.load %arg8[%swap3A_43, %swap3A_44, %swap3A_45] : memref<1x1x768xf32, #tpu.memory_space<vmem>>, vector<1x1x768xf32>
    %swap3A_47 = vector.shape_cast %swap3A_46 : vector<1x1x768xf32> to vector<1x768xf32>
    %swap3A_48 = vector.shape_cast %broadcast_in_dim3A_42 : vector<1x768xf32> to vector<1x1x768xf32>
    tpu.vector_store %arg8[%swap3A_43, %swap3A_44, %swap3A_45], %swap3A_48 {strides = array<i32>} : memref<1x1x768xf32, #tpu.memory_space<vmem>>, vector<1x1x768xf32>,
    return
  }
  func.func @transform_0(%arg0: i32) -> (i32, i32, i32) {
    %c0_i32 = arith.constant 0 : i32
    %c0_i32_0 = arith.constant 0 : i32
    %c0_i32_1 = arith.constant 0 : i32
    return %arg0, %c0_i32, %c0_i32_0 : i32, i32, i32
  }
  func.func @transform_1(%arg0: i32) -> (i32, i32) {
    %c0_i32 = arith.constant 0 : i32
    %c0_i32_0 = arith.constant 0 : i32
    %c0_i32_1 = arith.constant 0 : i32
    return %c0_i32, %c0_i32_0 : i32, i32
  }
  func.func @transform_2(%arg0: i32) -> (i32, i32) {
    %c0_i32 = arith.constant 0 : i32
    %c0_i32_0 = arith.constant 0 : i32
    %c0_i32_1 = arith.constant 0 : i32
    return %c0_i32, %c0_i32_0 : i32, i32
  }
  func.func @transform_3(%arg0: i32) -> (i32, i32) {
    %c0_i32 = arith.constant 0 : i32
    %c0_i32_0 = arith.constant 0 : i32
    %c0_i32_1 = arith.constant 0 : i32
    return %c0_i32, %c0_i32_0 : i32, i32
  }
  func.func @transform_4(%arg0: i32) -> (i32, i32) {
    %c0_i32 = arith.constant 0 : i32
    %c0_i32_0 = arith.constant 0 : i32
    %c0_i32_1 = arith.constant 0 : i32
    return %c0_i32, %c0_i32_0 : i32, i32
  }
  func.func @transform_5(%arg0: i32) -> (i32, i32, i32) {
    %c0_i32 = arith.constant 0 : i32
    %c0_i32_0 = arith.constant 0 : i32
    %c0_i32_1 = arith.constant 0 : i32
    return %arg0, %c0_i32, %c0_i32_0 : i32, i32, i32
  }
  func.func @transform_6(%arg0: i32) -> (i32, i32, i32) {
    %c0_i32 = arith.constant 0 : i32
    %c0_i32_0 = arith.constant 0 : i32
    %c0_i32_1 = arith.constant 0 : i32
    return %arg0, %c0_i32, %c0_i32_0 : i32, i32, i32
  }
  func.func @transform_7(%arg0: i32) -> (i32, i32, i32) {
    %c0_i32 = arith.constant 0 : i32
    %c0_i32_0 = arith.constant 0 : i32
    %c0_i32_1 = arith.constant 0 : i32
    return %arg0, %c0_i32, %c0_i32_0 : i32, i32, i32
  }
}

module attributes {stable_mosaic.version = 14 : i64} {
  func.func @_pool_body(%arg0: i32, %arg1: i32, %arg2: memref<1x128x768xf32, #tpu.memory_space<vmem>>, %arg3: memref<1x128x768xf32, #tpu.memory_space<vmem>>, %arg4: memref<2x1x768xf32, #tpu.memory_space<vmem>>, %arg5: memref<2x1x768xf32, #tpu.memory_space<vmem>>, %arg6: memref<1x768xf32, #tpu.memory_space<vmem>>, %arg7: memref<1x768xf32, #tpu.memory_space<vmem>>, %arg8: memref<1x64x768xf32, #tpu.memory_space<vmem>>) attributes {dimension_semantics = [#tpu.dimension_semantics<arbitrary>, #tpu.dimension_semantics<arbitrary>], iteration_bounds = array<i64: 2, 16>, scalar_prefetch = 0 : i64, scratch_operands = 0 : i64, tpu.core_type = #tpu.core_type<tc>, window_params = [{transform_indices = @transform_0, window_bounds = array<i64: 1, 128, 768>}, {transform_indices = @transform_1, window_bounds = array<i64: 1, 128, 768>}, {pipeline_mode = #tpu.pipeline_mode<synchronous>, transform_indices = @transform_2, window_bounds = array<i64: 2, 1, 768>}, {pipeline_mode = #tpu.pipeline_mode<synchronous>, transform_indices = @transform_3, window_bounds = array<i64: 2, 1, 768>}, {pipeline_mode = #tpu.pipeline_mode<synchronous>, transform_indices = @transform_4, window_bounds = array<i64: 1, 768>}, {pipeline_mode = #tpu.pipeline_mode<synchronous>, transform_indices = @transform_5, window_bounds = array<i64: 1, 768>}, {transform_indices = @transform_6, window_bounds = array<i64: 1, 64, 768>}]} {
    %get3A = arith.constant 0 : index
    %get3A_0 = arith.constant 0 : index
    %get3A_1 = arith.constant 0 : index
    %get3A_2 = vector.load %arg4[%get3A, %get3A_0, %get3A_1] : memref<2x1x768xf32, #tpu.memory_space<vmem>>, vector<1x1x768xf32>
    %get3A_3 = vector.shape_cast %get3A_2 : vector<1x1x768xf32> to vector<1x768xf32>
    %get3A_4 = arith.constant 1 : index
    %get3A_5 = arith.constant 0 : index
    %get3A_6 = arith.constant 0 : index
    %get3A_7 = vector.load %arg4[%get3A_4, %get3A_5, %get3A_6] : memref<2x1x768xf32, #tpu.memory_space<vmem>>, vector<1x1x768xf32>
    %get3A_8 = vector.shape_cast %get3A_7 : vector<1x1x768xf32> to vector<1x768xf32>
    %add3A = arith.addf %get3A_3, %get3A_8 : vector<1x768xf32>
    %mul3A = arith.constant 2.44140625E-4 : f32
    %mul3A_9 = vector.broadcast %mul3A : f32 to vector<1x768xf32>
    %mul3A_10 = arith.mulf %add3A, %mul3A_9 : vector<1x768xf32>
    %get3A_11 = arith.constant 0 : index
    %get3A_12 = arith.constant 0 : index
    %get3A_13 = arith.constant 0 : index
    %get3A_14 = vector.load %arg5[%get3A_11, %get3A_12, %get3A_13] : memref<2x1x768xf32, #tpu.memory_space<vmem>>, vector<1x1x768xf32>
    %get3A_15 = vector.shape_cast %get3A_14 : vector<1x1x768xf32> to vector<1x768xf32>
    %get3A_16 = arith.constant 1 : index
    %get3A_17 = arith.constant 0 : index
    %get3A_18 = arith.constant 0 : index
    %get3A_19 = vector.load %arg5[%get3A_16, %get3A_17, %get3A_18] : memref<2x1x768xf32, #tpu.memory_space<vmem>>, vector<1x1x768xf32>
    %get3A_20 = vector.shape_cast %get3A_19 : vector<1x1x768xf32> to vector<1x768xf32>
    %add3A_21 = arith.addf %get3A_15, %get3A_20 : vector<1x768xf32>
    %mul3A_22 = arith.constant 2.44140625E-4 : f32
    %mul3A_23 = vector.broadcast %mul3A_22 : f32 to vector<1x768xf32>
    %mul3A_24 = arith.mulf %add3A_21, %mul3A_23 : vector<1x768xf32>
    %mul3A_25 = arith.mulf %mul3A_10, %mul3A_10 : vector<1x768xf32>
    %sub3A = arith.subf %mul3A_24, %mul3A_25 : vector<1x768xf32>
    %get3A_26 = arith.constant 0 : index
    %get3A_27 = arith.constant 0 : index
    %get3A_28 = vector.load %arg6[%get3A_26, %get3A_27] : memref<1x768xf32, #tpu.memory_space<vmem>>, vector<1x768xf32>
    %add3A_29 = arith.constant 1.000000e-03 : f32
    %add3A_30 = vector.broadcast %add3A_29 : f32 to vector<1x768xf32>
    %add3A_31 = arith.addf %sub3A, %add3A_30 : vector<1x768xf32>
    %rsqrt3A = math.rsqrt %add3A_31 : vector<1x768xf32>
    %mul3A_32 = arith.mulf %get3A_28, %rsqrt3A : vector<1x768xf32>
    %get3A_33 = arith.constant 0 : index
    %get3A_34 = arith.constant 0 : index
    %get3A_35 = arith.constant 0 : index
    %get3A_36 = vector.load %arg2[%get3A_33, %get3A_34, %get3A_35] : memref<1x128x768xf32, #tpu.memory_space<vmem>>, vector<1x128x768xf32>
    %get3A_37 = vector.shape_cast %get3A_36 : vector<1x128x768xf32> to vector<128x768xf32>
    %sub3A_38 = vector.broadcast %mul3A_10 : vector<1x768xf32> to vector<128x768xf32>
    %sub3A_39 = arith.subf %get3A_37, %sub3A_38 : vector<128x768xf32>
    %mul3A_40 = vector.broadcast %mul3A_32 : vector<1x768xf32> to vector<128x768xf32>
    %mul3A_41 = arith.mulf %sub3A_39, %mul3A_40 : vector<128x768xf32>
    %get3A_42 = arith.constant 0 : index
    %get3A_43 = arith.constant 0 : index
    %get3A_44 = vector.load %arg7[%get3A_42, %get3A_43] : memref<1x768xf32, #tpu.memory_space<vmem>>, vector<1x768xf32>
    %add3A_45 = vector.broadcast %get3A_44 : vector<1x768xf32> to vector<128x768xf32>
    %add3A_46 = arith.addf %mul3A_41, %add3A_45 : vector<128x768xf32>
    %gt3A = arith.constant 0.000000e+00 : f32
    %gt3A_47 = vector.broadcast %gt3A : f32 to vector<128x768xf32>
    %gt3A_48 = arith.cmpf ogt, %add3A_46, %gt3A_47 : vector<128x768xf32>
    %exp3A = math.exp %add3A_46 : vector<128x768xf32>
    %sub3A_49 = arith.constant 1.000000e+00 : f32
    %sub3A_50 = vector.broadcast %sub3A_49 : f32 to vector<128x768xf32>
    %sub3A_51 = arith.subf %exp3A, %sub3A_50 : vector<128x768xf32>
    %select_n3A = arith.select %gt3A_48, %add3A_46, %sub3A_51 : vector<128x768xi1>, vector<128x768xf32>
    %get3A_52 = arith.constant 0 : index
    %get3A_53 = arith.constant 0 : index
    %get3A_54 = arith.constant 0 : index
    %get3A_55 = vector.load %arg3[%get3A_52, %get3A_53, %get3A_54] : memref<1x128x768xf32, #tpu.memory_space<vmem>>, vector<1x1x768xf32>
    %get3A_56 = vector.shape_cast %get3A_55 : vector<1x1x768xf32> to vector<1x768xf32>
    %sub3A_57 = arith.subf %get3A_56, %mul3A_10 : vector<1x768xf32>
    %mul3A_58 = arith.mulf %sub3A_57, %mul3A_32 : vector<1x768xf32>
    %get3A_59 = arith.constant 0 : index
    %get3A_60 = arith.constant 0 : index
    %get3A_61 = vector.load %arg7[%get3A_59, %get3A_60] : memref<1x768xf32, #tpu.memory_space<vmem>>, vector<1x768xf32>
    %add3A_62 = arith.addf %mul3A_58, %get3A_61 : vector<1x768xf32>
    %gt3A_63 = arith.constant 0.000000e+00 : f32
    %gt3A_64 = vector.broadcast %gt3A_63 : f32 to vector<1x768xf32>
    %gt3A_65 = arith.cmpf ogt, %add3A_62, %gt3A_64 : vector<1x768xf32>
    %exp3A_66 = math.exp %add3A_62 : vector<1x768xf32>
    %sub3A_67 = arith.constant 1.000000e+00 : f32
    %sub3A_68 = vector.broadcast %sub3A_67 : f32 to vector<1x768xf32>
    %sub3A_69 = arith.subf %exp3A_66, %sub3A_68 : vector<1x768xf32>
    %select_n3A_70 = arith.select %gt3A_65, %add3A_62, %sub3A_69 : vector<1x768xi1>, vector<1x768xf32>
    %eq3A = arith.constant 15 : i32
    %eq3A_71 = arith.cmpi eq, %arg1, %eq3A : i32
    %jit3A = arith.constant 0xFF800000 : f32
    %broadcast_in_dim3A = vector.broadcast %jit3A : f32 to vector<1x768xf32>
    %select_n3A_72 = arith.select %eq3A_71, %broadcast_in_dim3A, %select_n3A_70 : vector<1x768xf32>
    %reshape3A = vector.shape_cast %select_n3A : vector<128x768xf32> to vector<64x2x768xf32>
    %slice3A = vector.extract_strided_slice %reshape3A {offsets = [0, 0, 0], sizes = [64, 1, 768], strides = [1, 1, 1]} : vector<64x2x768xf32> to vector<64x1x768xf32>
    %squeeze3A = vector.shape_cast %slice3A : vector<64x1x768xf32> to vector<64x768xf32>
    %slice3A_73 = vector.extract_strided_slice %reshape3A {offsets = [0, 1, 0], sizes = [64, 1, 768], strides = [1, 1, 1]} : vector<64x2x768xf32> to vector<64x1x768xf32>
    %squeeze3A_74 = vector.shape_cast %slice3A_73 : vector<64x1x768xf32> to vector<64x768xf32>
    %slice3A_75 = vector.extract_strided_slice %squeeze3A {offsets = [1, 0], sizes = [63, 768], strides = [1, 1]} : vector<64x768xf32> to vector<63x768xf32>
    %concatenate3A = tpu.concatenate %slice3A_75, %select_n3A_72 in 0 : vector<63x768xf32>, vector<1x768xf32> -> vector<64x768xf32>
    %max3A = arith.maximumf %squeeze3A, %squeeze3A_74 : vector<64x768xf32>
    %max3A_76 = arith.maximumf %max3A, %concatenate3A : vector<64x768xf32>
    %swap3A = arith.constant 0 : index
    %swap3A_77 = arith.constant 0 : index
    %swap3A_78 = arith.constant 0 : index
    %swap3A_79 = vector.load %arg8[%swap3A, %swap3A_77, %swap3A_78] : memref<1x64x768xf32, #tpu.memory_space<vmem>>, vector<1x64x768xf32>
    %swap3A_80 = vector.shape_cast %swap3A_79 : vector<1x64x768xf32> to vector<64x768xf32>
    %swap3A_81 = vector.shape_cast %max3A_76 : vector<64x768xf32> to vector<1x64x768xf32>
    tpu.vector_store %arg8[%swap3A, %swap3A_77, %swap3A_78], %swap3A_81 {strides = array<i32>} : memref<1x64x768xf32, #tpu.memory_space<vmem>>, vector<1x64x768xf32>,
    return
  }
  func.func @transform_0(%arg0: i32, %arg1: i32) -> (i32, i32, i32) {
    %c0_i32 = arith.constant 0 : i32
    %c0_i32_0 = arith.constant 0 : i32
    return %arg0, %arg1, %c0_i32 : i32, i32, i32
  }
  func.func @transform_1(%arg0: i32, %arg1: i32) -> (i32, i32, i32) {
    %add3A = arith.constant 1 : i32
    %add3A_0 = arith.addi %arg1, %add3A : i32
    %min3A = arith.constant 15 : i32
    %min3A_1 = arith.minsi %add3A_0, %min3A : i32
    %c0_i32 = arith.constant 0 : i32
    %c0_i32_2 = arith.constant 0 : i32
    return %arg0, %min3A_1, %c0_i32 : i32, i32, i32
  }
  func.func @transform_2(%arg0: i32, %arg1: i32) -> (i32, i32, i32) {
    %c0_i32 = arith.constant 0 : i32
    %c0_i32_0 = arith.constant 0 : i32
    %c0_i32_1 = arith.constant 0 : i32
    %c0_i32_2 = arith.constant 0 : i32
    return %c0_i32, %c0_i32_0, %c0_i32_1 : i32, i32, i32
  }
  func.func @transform_3(%arg0: i32, %arg1: i32) -> (i32, i32, i32) {
    %c0_i32 = arith.constant 0 : i32
    %c0_i32_0 = arith.constant 0 : i32
    %c0_i32_1 = arith.constant 0 : i32
    %c0_i32_2 = arith.constant 0 : i32
    return %c0_i32, %c0_i32_0, %c0_i32_1 : i32, i32, i32
  }
  func.func @transform_4(%arg0: i32, %arg1: i32) -> (i32, i32) {
    %c0_i32 = arith.constant 0 : i32
    %c0_i32_0 = arith.constant 0 : i32
    %c0_i32_1 = arith.constant 0 : i32
    return %c0_i32, %c0_i32_0 : i32, i32
  }
  func.func @transform_5(%arg0: i32, %arg1: i32) -> (i32, i32) {
    %c0_i32 = arith.constant 0 : i32
    %c0_i32_0 = arith.constant 0 : i32
    %c0_i32_1 = arith.constant 0 : i32
    return %c0_i32, %c0_i32_0 : i32, i32
  }
  func.func @transform_6(%arg0: i32, %arg1: i32) -> (i32, i32, i32) {
    %c0_i32 = arith.constant 0 : i32
    %c0_i32_0 = arith.constant 0 : i32
    return %arg0, %arg1, %c0_i32 : i32, i32, i32
  }
}

</mosaic_0001>

<sc_bundles>
// kernel: scatter_offload_async_start
scs
__scs_entry_jumppad:
0x0: {  	(pc) =	sbr.rel $0x88, $3  }
0x1: {  	(tag) =	ssettag $0x0;
	lr =	simm.s32 $0x1  }
0x2: {  	[smem:$0x3F8C] =	sst lr;
	_ =	strace $0xD0000000  }
0x3: {  	_ = 	snop  }
0x4: {  	_ = 	snop  }
0x5: {  	_ = 	snop  }
0x6: {  	_ = 	snop  }
0x7: {  	_ = 	snop  }
__scs_overlays_trampoline_lowered:
0x8: {  	[smem:$0x3F9B] =	sst s0  }
0x9: {  	[smem:$0x3F9C] =	sst s1  }
0xa: {  	[smem:$0x3F9D] =	sst s2  }
0xb: {  	[smem:$0x3F9E] =	sst s3  }
0xc: {  	[smem:$0x3F9F] =	sst s4  }
0xd: {  	[smem:$0x3FA0] =	sst s5  }
0xe: {  	[smem:$0x3FA1] =	sst s6  }
0xf: {  	[smem:$0x3FA2] =	sst s7  }
0x10: {  	[smem:$0x3FA3] =	sst s8  }
0x11: {  	[smem:$0x3FA4] =	sst s9;
	s0 =	simm.s32 @!p0 $0x0  }
0x12: {  	s1 =	sld [smem:$0x3F8A];
	s0 =	simm.s32 @p0 $0x1  }
0x13: {  	[smem:$0x3FA5] =	sst s0;
	s0 =	simm.s32 @!p1 $0x0  }
0x14: {  	s2 =	sld [smem:$0x3F89];
	s0 =	simm.s32 @p1 $0x1  }
0x15: {  	[smem:$0x3FA6] =	sst s0;
	s0 =	simm.s32 @!p2 $0x0  }
0x16: {  	s3 =	sld [smem:$0x3FDB];
	s0 =	simm.s32 @p2 $0x1  }
0x17: {  	s4 =	simm.s32 $0x1BF5;
	[smem:$0x3FA8] =	sst s0  }
0x18: {  	s0 =	sld [smem:$0x3F8B];
	_ =	swait.ge [sflag:s4], $0x0  }
0x19: {  	s7 =	sld [smem:$0x3F8C]  }
0x1a: {  	s8 =	sadd.s32 $0xFFFFE003, lr  }
0x1b: {  	s9 =	sadd.s32 $0xFFFFFEF7, lr;
	s5 =	simm.s32 $0xFFFFFFFF;
	p2 =	slt.u32 s8, $0xFFFFF086  }
0x1c: {  	p1 =	slt.u32 s9, $0xF7A;
	s5 =	simm.s32 @!p2 $0x0  }
0x1d: {  	s5 =	simm.s32 @p1 $0x1;
	p0 =	seq.s32 s7, s2  }
0x1e: {  	s7 =	smul.u32 @!p0 $0xF7A, s2;
	p2 =	seq.s32 @!p0 s5, $0x0  }
0x1f: {  	s9 =	smul.u32 $0xF7A, s1;
	s8 =	simm.s32 @!p0 $0x1BF5;
	p2 =	por !p2, p0  }
0x20: {  	[sflag:s8] =	ssyncset.s32 @!p0 $0xFFFFF086;
	s6 =	sadd.s32 @!p0 s3, s7;
	s7 =	simm.s32 @!p0 $0x108  }
0x21: {  	s3 =	sadd.s32 s3, s9;
	s6 =	sadd.s32 @!p0 $0x88, s6;
	s7 =	simm.s32 @p2 $0x1082  }
0x22: {  	[simem:s7], [sflag:s8] =	dma.local @!p0 [hbm:s6], $0xF7A  }
0x23: {  	s9 =	sor.u32 $0xD0000000, s2;
	s6 =	simm.s32 $0x108;
	_ =	swait.ge @!p0 [sflag:s8], $0x0  }
0x24: {  	s3 =	sadd.s32 $0x88, s3;
	s6 =	simm.s32 @!p1 $0x1082;
	[sflag:s4] =	ssyncset.s32 $0xFFFFF086  }
0x25: {  	[simem:s6], [sflag:s4] =	dma.local [hbm:s3], $0xF7A  }
0x26: {  	[smem:$0x3F8C] =	sst s1;
	(tag) =	ssettag s2;
	_ =	strace s9  }
0x27: {  	s1 =	sld [smem:$0x3F9C]  }
0x28: {  	s2 =	sld [smem:$0x3F9D]  }
0x29: {  	s4 =	sld [smem:$0x3F9F]  }
0x2a: {  	p0 =	seq.s32 s5, $0x0;
	s5 =	sld [smem:$0x3FA0]  }
0x2b: {  	s6 =	sld [smem:$0x3FA1]  }
0x2c: {  	s7 =	sld [smem:$0x3FA2]  }
0x2d: {  	s3 =	simm.s32 $0x108;
	s8 =	sld [smem:$0x3FA3]  }
0x2e: {  	s3 =	simm.s32 @!p0 $0x1082;
	s9 =	sld [smem:$0x3FA4]  }
0x2f: {  	lr =	sadd.s32 s0, s3;
	s0 =	sld [smem:$0x3F9B]  }
0x30: {  	s3 =	sld [smem:$0x3F9E]  }
0x31: {  	[smem:$0x3FA7] =	sst s10  }
0x32: {  	s10 =	sld [smem:$0x3FA5];
	_ =	sdelay $0x3  }
0x33: {  	p0 =	seq.s32 s10, $0x1;
	s10 =	sld [smem:$0x3FA7];
	_ =	sdelay $0x3  }
0x34: {  	[smem:$0x3FA7] =	sst s10  }
0x35: {  	s10 =	sld [smem:$0x3FA6];
	_ =	sdelay $0x3  }
0x36: {  	p1 =	seq.s32 s10, $0x1;
	s10 =	sld [smem:$0x3FA7];
	_ =	sdelay $0x3  }
0x37: {  	[smem:$0x3FA7] =	sst s10  }
0x38: {  	s10 =	sld [smem:$0x3FA8]  }
0x39: {  	_ = 	snop;
	(pc) =	sbr.ind lr, $3  }
0x3a: {  	_ = 	snop  }
0x3b: {  	_ = 	snop  }
0x3c: {  	p2 =	seq.s32 s10, $0x1;
	s10 =	sld [smem:$0x3FA7]  }
0x3d: {  	_ =	shalt  }
0x3e: {  	_ =	shalt  }
0x3f: {  	_ =	shalt  }
0x40: {  	_ =	shalt  }
0x41: {  	_ =	shalt  }
0x42: {  	_ =	shalt  }
0x43: {  	_ =	shalt  }
0x44: {  	_ =	shalt  }
0x45: {  	_ =	shalt  }
0x46: {  	_ =	shalt  }
0x47: {  	_ =	shalt  }
0x48: {  	_ =	shalt  }
0x49: {  	_ =	shalt  }
0x4a: {  	_ =	shalt  }
0x4b: {  	_ =	shalt  }
0x4c: {  	_ =	shalt  }
0x4d: {  	_ =	shalt  }
0x4e: {  	_ =	shalt  }
0x4f: {  	_ =	shalt  }
0x50: {  	_ =	shalt  }
0x51: {  	_ =	shalt  }
0x52: {  	_ =	shalt  }
0x53: {  	_ =	shalt  }
0x54: {  	_ =	shalt  }
0x55: {  	_ =	shalt  }
0x56: {  	_ =	shalt  }
0x57: {  	_ =	shalt  }
0x58: {  	_ =	shalt  }
0x59: {  	_ =	shalt  }
0x5a: {  	_ =	shalt  }
0x5b: {  	_ =	shalt  }
0x5c: {  	_ =	shalt  }
0x5d: {  	_ =	shalt  }
0x5e: {  	_ =	shalt  }
0x5f: {  	_ =	shalt  }
0x60: {  	_ =	shalt  }
0x61: {  	_ =	shalt  }
0x62: {  	_ =	shalt  }
0x63: {  	_ =	shalt  }
0x64: {  	_ =	shalt  }
0x65: {  	_ =	shalt  }
0x66: {  	_ =	shalt  }
0x67: {  	_ =	shalt  }
0x68: {  	_ =	shalt  }
0x69: {  	_ =	shalt  }
0x6a: {  	_ =	shalt  }
0x6b: {  	_ =	shalt  }
0x6c: {  	_ =	shalt  }
0x6d: {  	_ =	shalt  }
0x6e: {  	_ =	shalt  }
0x6f: {  	_ =	shalt  }
0x70: {  	_ =	shalt  }
0x71: {  	_ =	shalt  }
0x72: {  	_ =	shalt  }
0x73: {  	_ =	shalt  }
0x74: {  	_ =	shalt  }
0x75: {  	_ =	shalt  }
0x76: {  	_ =	shalt  }
0x77: {  	_ =	shalt  }
0x78: {  	_ =	shalt  }
0x79: {  	_ =	shalt  }
0x7a: {  	_ =	shalt  }
0x7b: {  	_ =	shalt  }
0x7c: {  	_ =	shalt  }
0x7d: {  	_ =	shalt  }
0x7e: {  	_ =	shalt  }
0x7f: {  	_ =	shalt  }
0x80: {  	_ =	shalt  }
0x81: {  	_ =	shalt  }
0x82: {  	_ =	shalt  }
0x83: {  	_ =	shalt  }
0x84: {  	_ =	shalt  }
0x85: {  	_ =	shalt  }
0x86: {  	_ =	shalt  }
0x87: {  	_ =	shalt  }
.Lfunc_end0:
.L_simem_size_0:
called_computation_lowered:
.L_overlay_start_0:
0x88: {  	s0 =	sld [smem:$0x3FD9]  }
0x89: {  	s1 =	sld [smem:$0x3FFE];
	_ =	sdelay $0x3  }
0x8a: {  	s0 =	sadd.s32 s1, s0  }
0x8b: {  	[smem:$0x3FB3] =	sst s0  }
0x8c: {  	_ = 	snop  }
0x8d: {  	(tm) =	ssettm $0x1  }
0x8e: {  	s15 =	sld [smem:$0x3FFB];
	_ =	sdelay $0x3  }
0x8f: {  	_ =	strace s15  }
0x90: {  	s0 =	sld [smem:$0x3FFC];
	_ =	sdelay $0x3  }
0x91: {  	_ =	strace s0  }
0x92: {  	s0 =	sld [smem:$0x3FFD];
	_ =	sdelay $0x3  }
0x93: {  	_ =	strace s0  }
0x94: {  	_ =	strace $0x8FFFFFFF  }
0x95: {  	s16 =	sld [smem:$0x3FDB];
	_ =	sdelay $0x1  }
0x96: {  	s17 =	simm.s32 $_scs_section_size  }
0x97: {  	s2 =	simm.s32 $_size__tile_overlayer_lowered;
	s3 =	simm.s32 $_tile_overlayer_lowered  }
0x98: {  	s20 =	simm.s32 $0x1BFF;
	s19 =	sshll.u32 s3, $0x1;
	s0 =	sadd.s32 s17, s16  }
0x99: {  	s4 =	simm.s32 $0x0;
	s18 =	sshll.u32 s2, $0x1;
	s2 =	sadd.s32 s19, s0  }
0x9a: {  	[timem:s4], [sflag:s20] =	dma.local [hbm:s2], s18  }
0x9b: {  	_ =	swait.ge [sflag:s20], s18  }
0x9c: {  	s1 =	ssub.s32 $0x0, s18;
	[sflag:s20] =	ssyncset.done $0x0  }
0x9d: {  	[sflag:s20] =	ssyncadd.s32 s1;
	_ =	sdelay $0x1  }
0x9e: {  	s21 =	simm.s32 $0x1B8B  }
0x9f: {  	_ =	swait.ge [sflag:s21], $0x1  }
0xa0: {  	[sflag:s21] =	ssyncset.done $0x0  }
0xa1: {  	s23 =	simm.s32 $0x1B8E;
	s22 =	sld [smem:$0x3FFE];
	[sflag:s21] =	ssyncadd.s32 $0xFFFFFFFF  }
0xa2: {  	s24 =	simm.s32 $execute0_lowered;
	[smem:$0x3FD2] =	sst s23  }
0xa3: {  	s2 =	sshll.u32 s24, $0x1;
	_ =	strace $0x80000046;
	[dreg:$0x1] =	wrdreg $0xFFFFFFFF  }
0xa4: {  	s25 =	simm.s32 $_size_execute0_lowered;
	s0 =	sadd.s32 s0, s2;
	[dreg:$0x0] =	wrdreg $0x0  }
0xa5: {  	s2 =	sshll.u32 s25, $0x1;
	[dreg:$0x2] =	wrdreg s0  }
0xa6: {  	[dreg:$0x3] =	wrdreg s2  }
0xa7: {  	[dreg:$0x4] =	wrdreg $0xC0  }
0xa8: {  	_ =	task [dreg:s4], $0x5FFFF  }
0xa9: {  	[dreg:$0x1] =	wrdreg $0xFFFFFFFF  }
0xaa: {  	[dreg:$0x0] =	wrdreg $0x60  }
0xab: {  	[dreg:$0x2] =	wrdreg s22  }
0xac: {  	[dreg:$0x3] =	wrdreg $0x9  }
0xad: {  	_ =	task.clear_ibuf [dreg:s4], $0x4FFFF;
	_ =	strace $0x90000046  }
0xae: {  	s26 =	simm.s32 $0x9;
	_ =	strace $0x80000048  }
0xaf: {  	_ =	swait.ge [sflag:s26], $0x1  }
0xb0: {  	[sflag:s26] =	ssyncadd.s32 $0xFFFFFFFF  }
0xb1: {  	_ =	strace $0x90000048  }
0xb2: {  	_ =	sfence  }
0xb3: {  	s28 =	sld [smem:$0x0];
	_ =	sdelay $0x1  }
0xb4: {  	s29 =	srdreg.scid  }
0xb5: {  	s30 =	sshll.u32 s29, $0xD;
	s31 =	sshrl.u32 s29, $0x2  }
0xb6: {  	s1 =	sand.u32 $0x1, s29;
	s2 =	sand.u32 $0x4000, s30;
	s0 =	sadd.s32 s31, s28  }
0xb7: {  	s1 =	sor.u32 s2, s1;
	s0 =	sshll.u32 s0, $0x11  }
0xb8: {  	s0 =	sor.u32 s0, s1  }
0xb9: {  	s0 =	sadd.s32 $0x8F2B, s0  }
0xba: {  	[sflag:s0] =	ssyncadd.remote.s32 $0x1  }
0xbb: {  	_ =	sfence.sel $0xFFFF  }
0xbc: {  	[dreg:$0x0] =	wrdreg $0xFFFFFFFF;
	(pc) =	sbr.abs _section_cstart, $3  }
0xbd: {  	[dreg:$0x1] =	wrdreg $0xFFFFFFFF  }
0xbe: {  	_ =	task.clear_ibuf [dreg:s4], $0x2FFFF;
	_ =	strace $0x9FFFFFFF  }
0xbf: {  	(tm) =	ssettm $0x7FFFFFFF  }
tec
execute0_lowered:
.L_overlay_start_1:
0x0: {  	(tag) =	ssettag $0x1  }
0x1: {  	s0 =	rddreg [dreg:$0x0];
	_ =	strace $0x80000047;
	s3 =	simm.s32 $0x1  }
0x2: {  	v1 =	vimm.s32 $0xFFFFFFFF;
	[sflag:s3] =	ssyncpa.u1 $0x0  }
0x3: {  	[tilespmem:$0x10] =	vst v1  }
0x4: {  	v0 =	vimm.f32 $0.0e+00;
	[tilespmem:$0x20] =	vst v1  }
0x5: {  	[tilespmem:$0x30] =	vst v0  }
0x6: {  	s2 =	simm.s32 $0x2;
	s6 =	simm.s32 $0x7;
	s26 =	stileid.u32;
	[tilespmem:$0x40] =	vst v0  }
0x7: {  	s7 =	simm.s32 $0x8;
	s31 =	simm.s32 $0x9;
	s14 =	simm.s32 $0x0;
	[tilespmem:$0x50] =	vst v0  }
0x8: {  	s15 =	simm.s32 $0x100;
	s18 =	simm.s32 $0x10;
	s19 =	simm.s32 $0x9100;
	[tilespmem:$0x60] =	vst v1  }
0x9: {  	s20 =	simm.s32 $0xF;
	s21 =	simm.s32 $0x50;
	s22 =	simm.s32 $0x40FF;
	[tilespmem:$0x70] =	vst v1  }
0xa: {  	s23 =	simm.s32 $0x20;
	s24 =	simm.s32 $0x30;
	s25 =	simm.s32 $0x80FF;
	[tilespmem:$0x80] =	vst v1  }
0xb: {  	s30 =	simm.s32 $0x0;
	s29 =	simm.s32 $0x0;
	s1 =	sadd.s32 $0x64200, s0;
	v1 =	vimm.s32 $0x0;
	[tilespmem:$0xB0] =	vst v0  }
.Ltmp0:
0xc: {  	s4 =	sadd.s32 $0x2A200, s0;
	s5 =	sadd.s32 $0x2C200, s0;
	[tilespmem:$0x90] =	vst v1;
	(pc) =	sbr.rel .LBB2_1-.Ltmp0, $4  }
0xd: {  	s8 =	sshll.u32 s26, $0xC;
	s10 =	sshll.u32 s26, $0x1;
	[tilespmem:$0xA0] =	vst v1;
	[sflag:s2] =	ssyncpa.u1 $0x0  }
0xe: {  	s12 =	sshllo.u32 s26, $0x1;
	s26 =	simm.s32 $0x80;
	[sflag:s6] =	ssyncpa.u1 $0x0  }
0xf: {  	vm0 =	vmmov $0xffff;
	v2 =	vlaneseq.u32;
	s9 =	sadd.s32 $0x1000, s8;
	s11 =	sor.u32 $0x81, s10;
	[sflag:s7] =	ssyncpa.u1 $0x0  }
0x10: {  	vm1 =	vmxor vm1, vm1;
	vm2 =	vmmov $0x1;
	vm3 =	vcmask $0x3F3C;
	s13 =	sor.u32 $0x80, s10;
	s28 =	smov.u32 s8;
	[sflag:s31] =	ssyncpa.u1 $0x0  }
.LBB2_3:
0x11: {  	s0 =	sshrl.u32 s28, $0x3  }
0x12: {  	s2 =	sand.u32 $0x7, s28;
	s0 =	sadd.s32 s4, s0  }
0x13: {  	[tilespmem:s15], [sflag:$0x7] =	stream.linear.gather [hbm4b:s0+s2], $0x1000, $0x38;
	[tilespmem:$0x9120] =	vst v63  }
.LBB2_4:
0x14: {  	s0 =	sadd.s32 $0x1000, s28  }
0x15: {  	s2 =	smov.u32 s8;
	s29 =	sadd.s32 $0x1, s29;
	p0 =	slt.s32 s0, s9  }
0x16: {  	s2 =	smov.u32 @p0 s0;
	p0 =	sne.s32 s29, $0x4  }
.Ltmp1:
0x17: {  	_ = 	snop;
	(pc) =	sbr.rel @!p0 .LBB2_13-.Ltmp1, $2  }
0x18: {  	_ =	sdelay $0x2  }
0x19: {  	s30 =	smov.u32 s28;
	s28 =	smov.u32 s2  }
.LBB2_1:
0x1a: {  	p0 =	sgt.s32 s29, $0x1  }
.Ltmp2:
0x1b: {  	_ = 	snop;
	(pc) =	sbr.rel @p0 .LBB2_11-.Ltmp2, $1  }
0x1c: {  	_ =	sdelay $0x3  }
0x1d: {  	p0 =	seq.s32 s29, $0x0  }
.Ltmp3:
0x1e: {  	_ = 	snop;
	(pc) =	sbr.rel @p0 .LBB2_3-.Ltmp3, $1  }
0x1f: {  	_ =	sdelay $0x3  }
0x20: {  	_ =	swait.ge [sflag:s6], $0x1000  }
0x21: {  	[sflag:s6] =	ssyncset.done $0x0  }
0x22: {  	[sflag:s6] =	ssyncadd.s32 $0xFFFFF000;
	(ifvalue) =	ssetifvalue $0xFFFFFFFF;
	v3 =	vld.msk [tilespmem:s15+$0x0 ss:$0x1], $0xffff;
	_ =	sdelay $0x4  }
0x23: {  	v4 =	vperm.xlane v3, v1  }
0x24: {  	vm4 =	vlt.u32 v3, $0x400000  }
0x25: {  	v3 =	vnsel vm4, $0xFFFFFFFE, v3;
	vm4 =	vlt.u32 v4, $0x400000  }
0x26: {  	[tilespmem:$0x70] =	vst v3;
	v3 =	vnsel vm4, $0xFFFFFFFE, v4  }
0x27: {  	s17 =	simm.s32 $0x10F0;
	[tilespmem:$0x80] =	vst v3  }
0x28: {  	v3 =	vld.msk [tilespmem:s17+$0x0 ss:$0x1], $0xffff;
	_ =	sdelay $0x4  }
0x29: {  	(xrf1) =	vunique.msk.u32 $0xffff, v3;
	_ =	sdelay $0xd  }
0x2a: {  	v4 =	vimm.s32 $0xFFFFFFFF;
	v5, _, _ =	vpop (xrf1)  }
0x2b: {  	vm5 =	vne.s32 v3, v4;
	vm4 =	veq.s32 v5, v2  }
0x2c: {  	vm6 =	vlt.u32 v3, $0x400000;
	vm4 =	vmand vm5, vm4  }
0x2d: {  	vm4 =	vmand vm6, vm4  }
0x2e: {  	v4 =	vnsel vm4, $0xFFFFFFFF, v3;
	_ =	sdelay $0x3  }
0x2f: {  	s0 =	simm.s32 $0x40F0;
	(ifvalue) =	ssetifvalue $0xFFFFFFFF  }
0x30: {  	v3 =	vperm.xlane v3, v1;
	[tilespmem:s0], [sflag:$0x8] =	stream.indirect_vreg.gather [hbm4b:s1+s14], $0x1, v4, vm0, $0x4038;
	v4 =	vnsel vm6, $0xFFFFFFFE, v4;
	[tilespmem:$0x9120] =	vst v63  }
0x31: {  	s2 =	simm.s32 $0x0;
	s16 =	simm.s32 $0x10E0;
	[tilespmem:s17+$0x0] =	vst v4  }
.LBB2_6:
0x32: {  	v4 =	vld.msk [tilespmem:s16+$0x0 ss:$0x1], $0xffff;
	s2 =	sadd.s32 $0x10, s2;
	v5 =	vmov v3;
	s17 =	smov.u32 s16  }
0x33: {  	p0 =	slt.u32 s2, $0xFF0;
	_ =	sdelay $0x4  }
0x34: {  	v3 =	vperm.xlane v4, v1;
	(xrf1) =	vunique.msk.u32 $0xffff, v4;
	_ =	sdelay $0xd  }
0x35: {  	v6, _, _ =	vpop (xrf1)  }
0x36: {  	vm5 =	vne.s32 v4, v5;
	vm4 =	veq.s32 v6, v2  }
0x37: {  	vm6 =	vlt.u32 v4, $0x400000;
	vm4 =	vmand vm5, vm4  }
0x38: {  	vm4 =	vmand vm6, vm4  }
0x39: {  	v4 =	vnsel vm4, $0xFFFFFFFF, v4  }
.Ltmp4:
0x3a: {  	v5 =	vnsel vm6, $0xFFFFFFFE, v4;
	(pc) =	sbr.rel @p0 .LBB2_6-.Ltmp4, $3  }
0x3b: {  	_ =	sdelay $0x1  }
0x3c: {  	s16 =	sadd.s32 $0xFFFFFFF0, s16;
	s0 =	sadd.s32 $0xFFFFFFF0, s0;
	(ifvalue) =	ssetifvalue $0xFFFFFFFF  }
0x3d: {  	[tilespmem:s0], [sflag:$0x8] =	stream.indirect_vreg.gather [hbm4b:s1+s14], $0x1, v4, vm0, $0x4038;
	[tilespmem:s17+$0x0] =	vst v5  }
.Ltmp5:
0x3e: {  	(pc) =	sbr.rel .LBB2_4-.Ltmp5, $4  }
0x3f: {  	_ = 	snop  }
0x40: {  	s0 =	sshrl.u32 s30, $0x3  }
0x41: {  	s2 =	simm.s32 $0x5100;
	s0 =	sadd.s32 s5, s0  }
0x42: {  	[tilespmem:s2], [sflag:$0x8] =	stream.linear.gather [hbm:s0], $0x1000, $0x38;
	[tilespmem:$0x9120] =	vst v63  }
.LBB2_11:
0x43: {  	p0 =	seq.s32 s29, $0x2  }
.Ltmp6:
0x44: {  	_ = 	snop;
	(pc) =	sbr.rel @!p0 .LBB2_12-.Ltmp6, $1  }
0x45: {  	_ =	sdelay $0x3  }
0x46: {  	_ =	swait.ge [sflag:s7], $0x2000  }
0x47: {  	[sflag:s7] =	ssyncset.done $0x0  }
0x48: {  	s0 =	simm.s32 $0x10FF;
	[sflag:s7] =	ssyncadd.s32 $0xFFFFE000  }
0x49: {  	[spmem:s11] =	stream.linear.scatter [tilespmem:s0], [sflag:$0x1], $0x1, $0x38;
	[tilespmem:$0x9120] =	vst v63  }
0x4a: {  	_ =	swait.ge [sflag:s3], $0x1  }
0x4b: {  	[sflag:s3] =	ssyncset.done $0x0  }
0x4c: {  	[sflag:s3] =	ssyncadd.s32 $0xFFFFFFFF  }
0x4d: {  	v4 =	vld [tilespmem:$0x10]  }
0x4e: {  	v5 =	vld [tilespmem:$0x70]  }
0x4f: {  	v3 =	vld [tilespmem:$0x80];
	_ =	sdelay $0x2  }
0x50: {  	(v2sf) =	vpush v4, $0x0  }
0x51: {  	(v2sf) =	vpush v5, $0x0  }
0x52: {  	(v2sf) =	vpush v3, $0x0;
	_ =	sdelay $0xc  }
0x53: {  	s16 =	spop (v2sf)  }
0x54: {  	s2 =	spop (v2sf)  }
0x55: {  	s30 =	spop (v2sf)  }
0x56: {  	p0 =	seq.s32 s16, s2;
	p1 =	seq.s32 s30, s16  }
0x57: {  	p1 =	por p0, p1  }
0x58: {  	v4 =	vpsel p1, $0xFFFFFFFF, v4  }
0x59: {  	[tilespmem:s18+$0x0] =	vst.msk $0x1, v4  }
0x5a: {  	v4 =	vld [tilespmem:$0x30]  }
0x5b: {  	v5 =	vld [tilespmem:$0x5100]  }
0x5c: {  	v6 =	vld [tilespmem:$0x40];
	_ =	sdelay $0x3  }
0x5d: {  	vm4 =	vmmov vm1;
	v5 =	vadd.f32 v5, v4  }
0x5e: {  	vm5 =	vmmov vm2;
	s31 =	simm.s32 $0x5100;
	vm4 =	vmmov @p0 vm2;
	v4 =	vadd.f32 v6, v4  }
0x5f: {  	vm5 =	vmmov @p1 vm1;
	[tilespmem:s31+$0x0] =	vst.msk vm4, v5  }
0x60: {  	[tilespmem:s19+$0x0] =	vst.msk vm5, v4  }
0x61: {  	v4 =	vld [tilespmem:$0x40F0];
	_ =	sdelay $0x3  }
0x62: {  	v5 =	vimm.f32 $0.0e+00  }
0x63: {  	v4 =	vshift.insert v4, v5, s20;
	_ =	sdelay $0x1  }
0x64: {  	[tilespmem:s21+$0x0] =	vst.msk $0x1, v4  }
0x65: {  	[tilespmem:s22+$0x0] =	vst.msk $0x1, v5  }
0x66: {  	v4 =	vld [tilespmem:$0x10F0];
	_ =	sdelay $0x4  }
0x67: {  	v4 =	vshift.insert v4, v1, s20;
	_ =	sdelay $0x1  }
0x68: {  	[tilespmem:s23+$0x0] =	vst.msk $0x1, v4  }
0x69: {  	s17 =	simm.s32 $0x100;
	v6 =	vld [tilespmem:s31+$0x0]  }
0x6a: {  	v7 =	vld [tilespmem:s17+$0x0];
	_ =	sdelay $0x3  }
0x6b: {  	v5 =	vadd.f32 v6, v5  }
0x6c: {  	vm4 =	vne.s32 v7, $0xFFFFFFFF  }
0x6d: {  	(xrf2) =	vadd.seg.scan.f32 vm4, v5;
	_ =	sdelay $0x3  }
0x6e: {  	s0 =	simm.s32 $0x3100;
	v5 =	vperm.xlane v4, v1  }
0x6f: {  	v6 =	vld [tilespmem:s0+$0x0]  }
0x70: {  	vm5 =	veq.s32 v7, v3;
	vm6 =	veq.s32 v7, v5  }
0x71: {  	vm7 =	vgt.u32 v7, $0xFFFFFFFD;
	vm6 =	vmor vm6, vm5  }
0x72: {  	vm6 =	vmor vm6, vm7  }
0x73: {  	v9 =	vld [tilespmem:$0xA0];
	v7 =	vsel vm6, $0xFFFFFFFF, v7  }
0x74: {  	v10 =	vld [tilespmem:$0x90];
	v6 =	vsel vm5, $0x0, v6;
	v8, _, _ =	vpop (xrf2)  }
0x75: {  	v6 =	vadd.f32 v8, v6  }
0x76: {  	s2 =	simm.s32 $0x7100  }
0x77: {  	vm4 =	vmand vm4, vm3;
	[tilespmem:s2+$0x0] =	vst v6;
	(ifvalue) =	ssetifvalue $0xFFFFFFFF  }
0x78: {  	vm6 =	veq.s32 v9, $0x1;
	[hbm4b:s1+s14] =	stream.indirect_vreg.scatter [tilespmem:s2], [sflag:$0x2], $0x1, v7, vm0, $0x4038;
	v7 =	vsel vm4, $0x0, v8;
	[tilespmem:$0x9120] =	vst v63  }
0x79: {  	s16 =	simm.s32 $0x0;
	s17 =	simm.s32 $0x110;
	vm4 =	vmor vm6, vm5;
	v6 =	vsel vm5, v8, v10;
	v7 =	vshift.insert v7, v0, s20  }
.LBB2_9:
0x7a: {  	v8 =	vld [tilespmem:s17+$0x0];
	s31 =	sadd.s32 $0x10, s31  }
0x7b: {  	s0 =	sadd.s32 $0x10, s0;
	v9 =	vld [tilespmem:s31+$0x0]  }
0x7c: {  	s16 =	sadd.s32 $0x10, s16;
	v10 =	vld [tilespmem:s0+$0x0]  }
0x7d: {  	p0 =	slt.u32 s16, $0xFF0;
	_ =	sdelay $0x2  }
0x7e: {  	v7 =	vadd.f32 v9, v7  }
0x7f: {  	vm5 =	vne.s32 v8, $0xFFFFFFFF  }
0x80: {  	vm6 =	vmand vm5, vm3;
	(xrf2) =	vadd.seg.scan.f32 vm5, v7;
	_ =	sdelay $0x5  }
0x81: {  	vm7 =	veq.s32 v8, v5;
	vm5 =	veq.s32 v8, v3  }
0x82: {  	vm8 =	vgt.u32 v8, $0xFFFFFFFD;
	vm4 =	vmor vm4, vm5;
	vm7 =	vmor vm7, vm5  }
0x83: {  	vm7 =	vmor vm7, vm8  }
0x84: {  	v8 =	vsel vm7, $0xFFFFFFFF, v8  }
.Ltmp7:
0x85: {  	v7 =	vsel vm5, $0x0, v10;
	v9, _, _ =	vpop (xrf2);
	(pc) =	sbr.rel @p0 .LBB2_9-.Ltmp7, $4  }
0x86: {  	v6 =	vsel vm5, v9, v6;
	v10 =	vadd.f32 v9, v7;
	v7 =	vsel vm6, $0x0, v9  }
0x87: {  	s2 =	sadd.s32 $0x10, s2;
	v7 =	vshift.insert v7, v0, s20  }
0x88: {  	s17 =	sadd.s32 $0x10, s17;
	[tilespmem:s2+$0x0] =	vst v10;
	(ifvalue) =	ssetifvalue $0xFFFFFFFF  }
0x89: {  	[hbm4b:s1+s14] =	stream.indirect_vreg.scatter [tilespmem:s2], [sflag:$0x2], $0x1, v8, vm0, $0x4038;
	[tilespmem:$0x9120] =	vst v63  }
0x8a: {  	v3 =	vld [tilespmem:$0x80F0];
	_ =	sdelay $0x4  }
0x8b: {  	v3 =	vshift.insert v3, v0, s20;
	_ =	sdelay $0x1  }
0x8c: {  	[tilespmem:s24+$0x0] =	vst.msk $0x1, v3  }
0x8d: {  	v3 =	vsel vm4, $0x1, v1;
	[tilespmem:$0x90] =	vst v6  }
0x8e: {  	[tilespmem:$0xA0] =	vst v3  }
0x8f: {  	[spmem:s12] =	stream.linear.scatter [tilespmem:s25], [sflag:$0x1], $0x1, $0x38;
	[tilespmem:$0x9120] =	vst v63  }
0x90: {  	v3 =	vmctz.xlane vm4;
	_ =	swait.ge [sflag:s3], $0x1  }
0x91: {  	(v2sf) =	vpush v4, $0x0  }
0x92: {  	(v2sf) =	vpush v3, $0x0;
	_ =	sdelay $0xd  }
0x93: {  	s0 =	spop (v2sf)  }
0x94: {  	s2 =	spop (v2sf)  }
0x95: {  	[sflag:s3] =	ssyncset.done $0x0;
	p0 =	sne.s32 s30, s0;
	p1 =	slt.s32 s2, $0xF  }
0x96: {  	[sflag:s3] =	ssyncadd.s32 $0xFFFFFFFF;
	v3 =	vimm.s32 @!p0 $0xFFFFFFFF;
	s2 =	simm.s32 @!p1 $0xF  }
0x97: {  	[tilespmem:$0x80] =	vst @!p0 v3;
	s31 =	sadd.s32 $0x90, s2  }
0x98: {  	[spmem:s10] =	stream.linear.scatter [tilespmem:s31], [sflag:$0x1], $0x1, $0x38;
	[tilespmem:$0x9120] =	vst v63  }
0x99: {  	_ =	swait.ge [sflag:s3], $0x1  }
0x9a: {  	[sflag:s3] =	ssyncset.done $0x0  }
0x9b: {  	[sflag:s3] =	ssyncadd.s32 $0xFFFFFFFF  }
0x9c: {  	[spmem:s13] =	stream.linear.scatter [tilespmem:s26], [sflag:$0x1], $0x1, $0x38;
	[tilespmem:$0x9120] =	vst v63  }
0x9d: {  	_ =	swait.ge [sflag:s3], $0x1  }
0x9e: {  	[sflag:s3] =	ssyncset.done $0x0  }
0x9f: {  	[sflag:s3] =	ssyncadd.s32 $0xFFFFFFFF;
	(ifvalue) =	ssetifvalue $0xFFFFFFFF;
	v3 =	vld [tilespmem:$0x10];
	_ =	sdelay $0x3  }
.Ltmp8:
0xa0: {  	_ = 	snop;
	(pc) =	sbr.rel .LBB2_4-.Ltmp8, $3  }
0xa1: {  	_ =	sdelay $0x1  }
0xa2: {  	(ifvalue) =	ssetifvalue $0xFFFFFFFF  }
0xa3: {  	[hbm4b:s1+s14] =	stream.indirect_vreg.scatter [tilespmem:s19], [sflag:$0x9], $0x1, v3, vm0, $0x4038;
	[tilespmem:$0x9120] =	vst v63  }
.LBB2_12:
0xa4: {  	s0 =	simm.s32 $0x2  }
0xa5: {  	_ =	swait.ge [sflag:s0], $0x1000  }
0xa6: {  	[sflag:s0] =	ssyncset.done $0x0  }
0xa7: {  	s31 =	simm.s32 $0x9;
	[sflag:s0] =	ssyncadd.s32 $0xFFFFF000  }
0xa8: {  	_ =	swait.ge [sflag:s31], $0x10  }
0xa9: {  	[sflag:s31] =	ssyncset.done $0x0  }
0xaa: {  	[sflag:s31] =	ssyncadd.s32 $0xFFFFFFF0  }
.LBB2_13:
0xab: {  	_ =	sfence.sel $0x180000  }
0xac: {  	s0 =	simm.s32 $0x7;
	[bflag:$0x0] =	sbarrier.arrive $0xFFFF  }
0xad: {  	s26 =	simm.s32 $0x8;
	[sflag:s0] =	ssyncpa.u1 $0x1  }
0xae: {  	s28 =	simm.s32 $0x9;
	[sflag:s26] =	ssyncpa.u1 $0x1  }
0xaf: {  	[sflag:s28] =	ssyncpa.u1 $0x1  }
0xb0: {  	_ =	sfence.stream.spmem  }
0xb1: {  	s29 =	simm.s32 $0x3;
	[bflag:$0x0] =	sbarrier.arrive $0xFFFF  }
0xb2: {  	s30 =	simm.s32 $0x4;
	[sflag:s29] =	ssyncpa.u1 $0x1  }
0xb3: {  	s31 =	simm.s32 $0x3C;
	s2 =	stileid.u32;
	[sflag:s30] =	ssyncpa.u1 $0x1  }
0xb4: {  	p0 =	sne.s32 s2, $0x0;
	[sflag:s31] =	ssyncpa.u1 $0x1  }
0xb5: {  	s0 =	simm.s32 @p0 $0x1;
	_ =	sfence @p0  }
0xb6: {  	[sflag:s0] =	ssyncpa.u1 @p0 $0x1;
	s0 =	simm.s32 @p0 $0x2  }
0xb7: {  	[sflag:s0] =	ssyncpa.u1 @p0 $0x1  }
0xb8: {  	_ =	strace @p0 $0x90000047  }
0xb9: {  	[bflag:$0x2] =	sbarrier.arrive @p0 $0xFFFF  }
0xba: {  	_ =	shalt @p0  }
.LBB2_14:
0xbb: {  	_ =	sfence.stream.spmem;
	s0 =	simm.s32 $0x5  }
0xbc: {  	s2 =	simm.s32 $0x80;
	s3 =	simm.s32 $0xC0;
	[sflag:s0] =	ssyncpa.u1 $0x0  }
0xbd: {  	[tilespmem:s3], [sflag:$0x5] =	stream.linear.gather [spmem:s2], $0x20, $0x38;
	[tilespmem:$0x9120] =	vst v63  }
0xbe: {  	s2 =	simm.s32 $0x0;
	s3 =	simm.s32 $0xE0  }
0xbf: {  	[tilespmem:s3], [sflag:$0x5] =	stream.linear.gather [spmem:s2], $0x20, $0x38;
	[tilespmem:$0x9120] =	vst v63  }
.Ltmp9:
0xc0: {  	_ = 	snop;
	(pc) =	sbr.rel .LBB2_15-.Ltmp9, $4  }
0xc1: {  	_ =	swait.ge [sflag:s0], $0x40  }
0xc2: {  	[sflag:s0] =	ssyncset.done $0x0  }
0xc3: {  	s31 =	simm.s32 $0x6;
	[sflag:s0] =	ssyncadd.s32 $0xFFFFFFC0  }
0xc4: {  	s4 =	simm.s32 $0x0;
	[sflag:s31] =	ssyncpa.u1 $0x0  }
.LBB2_20:
0xc5: {  	p0 =	sgt.u32 s0, $0x3FFFFF  }
0xc6: {  	s5 =	sshrl.u32 @!p0 s0, $0x3  }
0xc7: {  	s0 =	sand.u32 @!p0 $0x7, s0;
	s6 =	simm.s32 @!p0 $0xB0;
	s5 =	sadd.s32 @!p0 s1, s5  }
0xc8: {  	[tilespmem:s6], [sflag:$0x6] =	stream.linear.gather @!p0 [hbm4b:s5+s0], $0x1, $0x38;
	[tilespmem:$0x9120] =	vst v63  }
0xc9: {  	s0 =	simm.s32 @!p0 $0x6  }
0xca: {  	_ =	swait.ge @!p0 [sflag:s0], $0x1  }
0xcb: {  	[sflag:s0] =	ssyncset.done @!p0 $0x0  }
0xcc: {  	[sflag:s0] =	ssyncadd.s32 @!p0 $0xFFFFFFFF  }
0xcd: {  	v2 =	vmov @!p0 s4;
	v1 =	vld.msk @!p0 [tilespmem:$0xB0], $0x1;
	_ =	sdelay $0x3  }
0xce: {  	s0 =	simm.s32 @!p0 $0xE0  }
0xcf: {  	[tilespmem:v2+s0+$0x0], v1 =	vst.idx.ret.add.f32.msk @!p0 $0x1, v1  }
0xd0: {  	[tilespmem:s2+$0xC0] =	vst.msk $0x1, v0  }
0xd1: {  	v0 =	vld.msk [tilespmem:s4+$0xE0], $0x1;
	_ =	sdelay $0x4  }
0xd2: {  	[tilespmem:s2+$0xE0] =	vst.msk $0x1, v0;
	s2 =	sadd.s32 $0x1, s2  }
.LBB2_22:
0xd3: {  	s4 =	sadd.s32 $0x1, s4  }
0xd4: {  	p0 =	sne.s32 s4, $0x20  }
.Ltmp10:
0xd5: {  	_ = 	snop;
	(pc) =	sbr.rel @!p0 .LBB2_23-.Ltmp10, $1  }
0xd6: {  	_ =	sdelay $0x3  }
.LBB2_15:
0xd7: {  	v0 =	vld.msk [tilespmem:s4+$0xC0], $0x1;
	_ =	sdelay $0x4  }
0xd8: {  	(v2sf) =	vpush v0, $0x0;
	_ =	sdelay $0xe  }
0xd9: {  	s0 =	spop (v2sf)  }
0xda: {  	p0 =	seq.s32 s0, $0xFFFFFFFF  }
.Ltmp11:
0xdb: {  	_ = 	snop;
	(pc) =	sbr.rel @p0 .LBB2_22-.Ltmp11, $1  }
0xdc: {  	_ =	sdelay $0x3  }
0xdd: {  	p0 =	slt.s32 s2, $0x1  }
.Ltmp12:
0xde: {  	_ = 	snop;
	(pc) =	sbr.rel @p0 .LBB2_20-.Ltmp12, $1  }
0xdf: {  	_ =	sdelay $0x3  }
0xe0: {  	s5 =	simm.s32 $0xC0;
	p0 =	por $0x0, $0x0  }
0xe1: {  	v1 =	vld.msk @!p0 [tilespmem:s5+$0x0], $0x1;
	_ =	sdelay $0x4  }
0xe2: {  	(v2sf) =	vpush @!p0 v1, $0x0;
	_ =	sdelay $0xd  }
0xe3: {  	p2 =	sne.s32 s2, $0x1  }
.Ltmp13:
0xe4: {  	s6 =	spop @!p0 (v2sf);
	(pc) =	sbr.rel @!p2 .LBB2_19-.Ltmp13, $4  }
0xe5: {  	p1 =	seq.s32 @!p0 s0, s6  }
0xe6: {  	s6 =	simm.s32 $0x0;
	p1 =	por !p1, p0  }
0xe7: {  	s8 =	simm.s32 $0xFFFFFFFF;
	s6 =	simm.s32 @p1 $0xFFFFFFFF  }
0xe8: {  	s7 =	simm.s32 $0x1;
	s6 =	smov.u32 @p0 s8  }
.LBB2_18:
0xe9: {  	s8 =	smov.u32 s6;
	p0 =	sne.s32 s6, $0xFFFFFFFF  }
0xea: {  	s5 =	sadd.s32 $0x1, s5;
	s6 =	smov.u32 s7;
	s7 =	sadd.s32 $0x1, s7  }
0xeb: {  	p1 =	sne.s32 s2, s7;
	v1 =	vld.msk @!p0 [tilespmem:s5+$0x0], $0x1;
	_ =	sdelay $0x4  }
0xec: {  	(v2sf) =	vpush @!p0 v1, $0x0;
	_ =	sdelay $0xe  }
.Ltmp14:
0xed: {  	s9 =	spop @!p0 (v2sf);
	(pc) =	sbr.rel @p1 .LBB2_18-.Ltmp14, $4  }
0xee: {  	p2 =	seq.s32 @!p0 s0, s9  }
0xef: {  	p2 =	por !p2, p0  }
0xf0: {  	s6 =	simm.s32 @p2 $0xFFFFFFFF  }
0xf1: {  	s6 =	smov.u32 @p0 s8  }
.LBB2_19:
0xf2: {  	p0 =	sne.s32 s6, $0xFFFFFFFF  }
.Ltmp15:
0xf3: {  	_ = 	snop;
	(pc) =	sbr.rel @!p0 .LBB2_20-.Ltmp15, $1  }
0xf4: {  	_ =	sdelay $0x3  }
0xf5: {  	v0 =	vld.msk [tilespmem:s4+$0xE0], $0x1;
	v1 =	vmov s6  }
.Ltmp16:
0xf6: {  	_ = 	snop;
	(pc) =	sbr.rel .LBB2_22-.Ltmp16, $2  }
0xf7: {  	_ =	sdelay $0x2  }
0xf8: {  	[tilespmem:v1+s3+$0x0], v0 =	vst.idx.ret.add.f32.msk $0x1, v0  }
.LBB2_23:
0xf9: {  	p0 =	slt.s32 s2, $0x1  }
.Ltmp17:
0xfa: {  	_ = 	snop;
	(pc) =	sbr.rel @p0 .LBB2_27-.Ltmp17, $3  }
0xfb: {  	_ =	sdelay $0x1  }
0xfc: {  	s0 =	simm.s32 $0x6  }
0xfd: {  	[sflag:s0] =	ssyncpa.u1 $0x1;
	s0 =	simm.s32 $0x0  }
0xfe: {  	s3 =	simm.s32 $0xC0  }
0xff: {  	v0 =	vld.msk [tilespmem:s3+$0x0], $0x1;
	_ =	sdelay $0x4  }
0x100: {  	(v2sf) =	vpush v0, $0x0;
	_ =	sdelay $0xe  }
0x101: {  	s2 =	sadd.s32 $0xFFFFFFFF, s2;
	s4 =	spop (v2sf)  }
0x102: {  	p1 =	sne.s32 s2, $0x0;
	p0 =	sgt.u32 s4, $0x3FFFFF  }
.Ltmp18:
0x103: {  	s5 =	sshrl.u32 @!p0 s4, $0x3;
	(pc) =	sbr.rel @!p1 .LBB2_26-.Ltmp18, $4  }
0x104: {  	s3 =	simm.s32 $0xE0;
	s4 =	sand.u32 @!p0 $0x7, s4;
	s5 =	sadd.s32 @!p0 s1, s5  }
0x105: {  	[hbm4b:s5+s4] =	stream.linear.scatter @!p0 [tilespmem:s3], [sflag:$0x5], $0x1, $0x38;
	[tilespmem:$0x9120] =	vst v63  }
0x106: {  	s5 =	simm.s32 $0x0  }
0x107: {  	s4 =	simm.s32 $0xC1;
	s5 =	simm.s32 @!p0 $0x4  }
.LBB2_25:
0x108: {  	v0 =	vld.msk [tilespmem:s4+$0x0], $0x1;
	s2 =	sadd.s32 $0xFFFFFFFF, s2;
	s0 =	sadd.s32 s0, s5  }
0x109: {  	p0 =	sne.s32 s2, $0x0;
	_ =	sdelay $0x3  }
0x10a: {  	(v2sf) =	vpush v0, $0x0;
	_ =	sdelay $0xe  }
.Ltmp19:
0x10b: {  	s6 =	spop (v2sf);
	(pc) =	sbr.rel @p0 .LBB2_25-.Ltmp19, $4  }
0x10c: {  	s5 =	simm.s32 $0x0;
	p1 =	sgt.u32 s6, $0x3FFFFF  }
0x10d: {  	s3 =	sadd.s32 $0x1, s3;
	s5 =	simm.s32 @!p1 $0x4;
	s7 =	sshrl.u32 @!p1 s6, $0x3  }
0x10e: {  	s4 =	sadd.s32 $0x1, s4;
	s6 =	sand.u32 @!p1 $0x7, s6;
	s7 =	sadd.s32 @!p1 s1, s7  }
0x10f: {  	[hbm4b:s7+s6] =	stream.linear.scatter @!p1 [tilespmem:s3], [sflag:$0x5], $0x1, $0x38;
	[tilespmem:$0x9120] =	vst v63  }
.LBB2_26:
0x110: {  	s0 =	sadd.s32 s0, s5  }
0x111: {  	s0 =	sshrl.u32 s0, $0x2  }
.LBB2_27:
0x112: {  	s1 =	simm.s32 $0x5  }
0x113: {  	_ =	swait.ge [sflag:s1], s0  }
0x114: {  	s28 =	ssub.s32 $0x0, s0;
	[sflag:s1] =	ssyncset.done $0x0  }
0x115: {  	[sflag:s1] =	ssyncadd.s32 s28  }
0x116: {  	[sflag:s1] =	ssyncpa.u1 $0x1  }
0x117: {  	s29 =	simm.s32 $0x1;
	_ =	sfence  }
0x118: {  	s30 =	simm.s32 $0x2;
	[sflag:s29] =	ssyncpa.u1 $0x1  }
0x119: {  	[sflag:s30] =	ssyncpa.u1 $0x1  }
0x11a: {  	_ =	strace $0x90000047  }
0x11b: {  	[bflag:$0x2] =	sbarrier.arrive $0xFFFF  }
0x11c: {  	s31 =	rddreg [dreg:$0x1]  }
0x11d: {  	s0 =	sadd.s32 $0x100000, s31  }
0x11e: {  	[sflag:s0] =	ssyncadd.tile.s32 $0x1;
	_ =	shalt  }
.Lfunc_end2:
_tile_overlayer_lowered:
.L_overlay_start_2:
0x11f: {  	(tag) =	ssettag $0x2  }
0x120: {  	s0 =	rddreg [dreg:$0x0];
	s2 =	stileid.u32  }
0x121: {  	s1 =	rddreg [dreg:$0x1];
	p0 =	sne.s32 s2, $0x0  }
0x122: {  	s3 =	rddreg [dreg:$0x2];
	[bflag:$0x3] =	sbarrier.arrive $0xFFFF;
	s2 =	simm.s32 @!p0 $0x1C01  }
0x123: {  	[timem:s3], [sflag:s2] =	dma.local @!p0 [hbm:s0], s1  }
0x124: {  	s0 =	simm.s32 @!p0 $0x1  }
0x125: {  	_ =	swait.ge @!p0 [sflag:s0], s1  }
0x126: {  	s1 =	ssub.s32 @!p0 $0x0, s1;
	[sflag:s0] =	ssyncset.done @!p0 $0x0  }
0x127: {  	[sflag:s0] =	ssyncadd.s32 @!p0 s1  }
0x128: {  	[bflag:$0x3] =	sbarrier.arrive $0xFFFF  }
0x129: {  	_ =	shalt  }

</sc_bundles>
